<compile_context>
chip_gen: v7x
topology: tpu7x:2x2x1
jax: 0.10.2.dev20260603
libtpu: 0.0.44.dev20260713+nightly
codegen_flags: <defaults>
</compile_context>

<pallas_src>
import functools

import jax
import jax.numpy as jnp
from jax import lax
from jax.experimental import pallas as pl
from jax.experimental.pallas import tpu as pltpu
from jax.experimental.pallas import tpu_sc as plsc

LANES = 16
PSTRIDE = 32


def _quantize(xv, n_levels):
    r = xv * jnp.float32(n_levels - 1)
    rh = r + jnp.float32(0.5)
    n = rh.astype(jnp.int32)
    tie = n.astype(jnp.float32) == rh
    odd = lax.rem(n, 2) == 1
    n = jnp.where(tie & odd, n - 1, n)
    return jnp.clip(n, 0, n_levels - 1)


def _sc_histograms(x, size, n_levels, num_workers):
    B = x.shape[0]
    S = size * size
    H = 2 * n_levels * PSTRIDE
    G = H // 128
    assert S % LANES == 0 and H % 128 == 0 and B % num_workers == 0
    b_per_w = B // num_workers
    n_chunks = S // LANES
    row_halves = (size + LANES - 1) // LANES

    mesh = plsc.VectorSubcoreMesh(core_axis_name="c", subcore_axis_name="s")

    halfw = size - LANES

    @functools.partial(
        pl.kernel,
        out_type=jax.ShapeDtypeStruct((B, 8, 128), jnp.float32),
        mesh=mesh,
        compiler_params=pltpu.CompilerParams(needs_layout_passes=False),
        scratch_types=[
            pltpu.VMEM((b_per_w, S), jnp.float32),
            pltpu.VMEM((b_per_w * H,), jnp.float32),
        ],
    )
    def sc_kernel(x_hbm, out_hbm, ximg_v, hist_v):
        wid = lax.axis_index("s") * 2 + lax.axis_index("c")
        iota = lax.iota(jnp.int32, LANES)
        ones = jnp.ones((LANES,), jnp.float32)
        zeros = jnp.zeros((LANES,), jnp.float32)
        b0 = wid * b_per_w
        pltpu.sync_copy(x_hbm.at[pl.ds(b0, b_per_w)], ximg_v)

        @plsc.parallel_loop(0, b_per_w * H // LANES)
        def _zero(c):
            hist_v[pl.ds(c * LANES, LANES)] = zeros

        @plsc.parallel_loop(0, b_per_w * size * 2)
        def _pass1(t):
            bi = t // (size * 2)
            r = lax.rem(t, size * 2)
            i = r // 2
            h = lax.rem(r, 2)
            m = iota >= (LANES - halfw) * h
            col = h * halfw + iota
            xv = ximg_v[bi, pl.ds(i * size + h * halfw, LANES)]
            lev = _quantize(xv, n_levels)
            plsc.addupdate_scatter(
                hist_v, [bi * H + lev * PSTRIDE + col], ones, mask=m)
            plsc.addupdate_scatter(
                hist_v,
                [bi * H + n_levels * PSTRIDE + lev * PSTRIDE + i], ones,
                mask=m)

        for bi in range(b_per_w):
            for g in range(G):
                pltpu.sync_copy(hist_v.at[pl.ds(bi * H + g * 128, 128)],
                                out_hbm.at[b0 + bi, g])

    return sc_kernel(x.reshape(B, S))


def _tc_combine(C, pos_x_w, pos_y_w, value_w, classify_w):
    B = C.shape[0]
    size, D = pos_x_w.shape
    L = value_w.shape[0]
    n_cls = classify_w.shape[0]
    G = 2 * L * PSTRIDE // 128

    def body(c_ref, px_ref, py_ref, vw_ref, cw_ref, out_ref):
        pad = jnp.zeros((PSTRIDE - size, D), jnp.float32)
        pxp = jnp.concatenate([px_ref[...], pad], axis=0)
        pyp = jnp.concatenate([py_ref[...], pad], axis=0)
        parts = [vw_ref[l:l + 1, :] * pxp for l in range(L)]
        parts += [vw_ref[l:l + 1, :] * pyp for l in range(L)]
        U = jnp.concatenate(parts, axis=0)
        multiset = jnp.zeros((B, D), jnp.float32)
        for g in range(G):
            multiset += lax.dot_general(
                c_ref[:, g, :], U[g * 128:(g + 1) * 128, :],
                (((1,), (0,)), ((), ())),
                preferred_element_type=jnp.float32)
        enc = jnp.where(multiset > 0, jnp.float32(1.0), jnp.float32(-1.0))
        out_ref[...] = lax.dot_general(
            cw_ref[...], enc, (((1,), (1,)), ((), ())),
            precision=lax.Precision.HIGHEST,
            preferred_element_type=jnp.float32)

    return pl.pallas_call(
        body,
        out_shape=jax.ShapeDtypeStruct((n_cls, B), jnp.float32),
    )(C, pos_x_w, pos_y_w, value_w, classify_w)


def kernel(x, pos_x_w, pos_y_w, value_w, classify_w):
    size = pos_x_w.shape[0]
    n_levels = value_w.shape[0]
    info = plsc.get_sparse_core_info()
    num_workers = info.num_cores * info.num_subcores
    C = _sc_histograms(x, size, n_levels, num_workers)
    return _tc_combine(C, pos_x_w, pos_y_w, value_w, classify_w).T

# --- scband reference (transcript-rebuilt; emitter-appended) ---
"""Pipeline reference for scband-model-30992484008577 (READ-ONLY COPY).

The authoritative reference and input builder live on the scoring server;
editing this copy changes nothing except your own understanding.
"""

import jax, jax.numpy as jnp
import numpy as np

DIMENSIONS = 1000
NUM_LEVELS = 10


def _level_hv(key, n, d):
    # torchhd-style level hypervectors: start from a random bipolar base and
    # progressively flip a random (but fixed-order) subset of components so
    # that adjacent levels are similar and the extremes are anti-correlated.
    k1, k2 = jax.random.split(key)
    base = jnp.where(jax.random.bernoulli(k1, 0.5, (d,)), 1.0, -1.0).astype(jnp.float32)
    perm = jax.random.permutation(k2, d)
    inv = jnp.argsort(perm)
    denom = max(n - 1, 1)
    flips = jnp.round(jnp.arange(n) / denom * d).astype(jnp.int32)
    mask = inv[None, :] < flips[:, None]
    return jnp.where(mask, -base[None, :], base[None, :])


def setup_inputs(seed: int = 0):
    key = jax.random.key(seed)
    ks = jax.random.split(key, 5)
    size = 28
    num_classes = 10
    batch = 64
    x = jax.random.uniform(ks[0], (batch, size, size), dtype=jnp.float32)
    pos_x_w = _level_hv(ks[1], size, DIMENSIONS)
    pos_y_w = _level_hv(ks[2], size, DIMENSIONS)
    value_w = _level_hv(ks[3], NUM_LEVELS, DIMENSIONS)
    classify_w = jnp.zeros((num_classes, DIMENSIONS), dtype=jnp.float32)  # module fills classify weight with 0.0
    return {"x": x, "pos_x_w": pos_x_w, "pos_y_w": pos_y_w, "value_w": value_w, "classify_w": classify_w}


def reference(x, pos_x_w, pos_y_w, value_w, classify_w):
    size = pos_x_w.shape[0]
    B = x.shape[0]
    # flatten
    xf = x.reshape(B, -1)  # [B, size*size]
    # positional hypervectors: px = position_x(arange(size).repeat(size)),
    # py = position_y(arange(size).repeat_interleave(size)); integer level indices -> direct lookup
    idx_x = jnp.tile(jnp.arange(size), size)
    idx_y = jnp.repeat(jnp.arange(size), size)
    px = jnp.take(pos_x_w, idx_x, axis=0)  # [S, D]
    py = jnp.take(pos_y_w, idx_y, axis=0)  # [S, D]
    position = px + py  # functional.bundle = elementwise add (MAP model)
    # value Level lookup: map pixel value in [0,1] to one of NUM_LEVELS indices
    n_levels = value_w.shape[0]
    vidx = jnp.clip(jnp.round(xf * (n_levels - 1)).astype(jnp.int32), 0, n_levels - 1)
    val = jnp.take(value_w, vidx, axis=0)  # [B, S, D] gather (memory-bound)
    # bind = elementwise multiply
    sample_hv = position[None, :, :] * val  # [B, S, D]
    # multiset = sum over hypervector axis
    multiset = jnp.sum(sample_hv, axis=-2)  # [B, D]
    # hard_quantize: where(x > 0, 1, -1)
    enc = jnp.where(multiset > 0, 1.0, -1.0)
    # classify: Linear(DIMENSIONS, num_classes, bias=False)
    logit = enc @ classify_w.T
    return logit

if __name__ == "__main__":
    import jax
    _d = setup_inputs()
    print(jax.jit(kernel)(*tuple(_d.values())))

</pallas_src>

<mosaic_0001>
#map = affine_map<(d0, d1) -> (0, 0)>
#map1 = affine_map<(d0, d1) -> (0, 0, 0)>
module attributes {stable_mosaic.version = 14 : i64} {
  func.func @sc_kernel(%arg0: i32, %arg1: i32, %arg2: memref<64x784xf32, #tpu.memory_space<hbm>>, %arg3: memref<64x8x128xf32, #tpu.memory_space<hbm>>, %arg4: memref<2x784xf32, #tpu.memory_space<vmem>>, %arg5: memref<1280xf32, #tpu.memory_space<vmem>>) attributes {dimension_semantics = [#tpu.dimension_semantics<core_parallel>, #tpu.dimension_semantics<subcore_parallel>], iteration_bounds = array<i64: 2, 16>, scalar_prefetch = 0 : i64, scratch_operands = 2 : i64, tpu.core_type = #tpu.core_type<sc_vector_subcore>, window_params = [{transform_indices = #map}, {transform_indices = #map1}]} {
    %mul3A = arith.constant 2 : i32
    %mul3A_0 = arith.muli %arg1, %mul3A : i32
    %add3A = arith.addi %mul3A_0, %arg0 : i32
    %iota3A = tpu.iota {dimensions = array<i32: 0>} : vector<16xi32>
    %broadcast_in_dim3A = arith.constant 1.000000e+00 : f32
    %broadcast_in_dim3A_1 = vector.broadcast %broadcast_in_dim3A : f32 to vector<16xf32>
    %broadcast_in_dim3A_2 = arith.constant 0.000000e+00 : f32
    %broadcast_in_dim3A_3 = vector.broadcast %broadcast_in_dim3A_2 : f32 to vector<16xf32>
    %mul3A_4 = arith.constant 2 : i32
    %mul3A_5 = arith.muli %add3A, %mul3A_4 : i32
    "tpu.region"() ({
      %run_scoped3A_40 = tpu.sem_alloc : memref<!tpu.dma_semaphore, #tpu.memory_space<semaphore_mem>>
      %dma_start3A = arith.constant 0 : i32
      %dma_start3A_41 = tpu.memref_slice %arg2[%mul3A_5, %dma_start3A] : memref<64x784xf32, #tpu.memory_space<hbm>> -> memref<2x784xf32, #tpu.memory_space<hbm>>
      %dma_start3A_42 = arith.constant 0 : i32
      %dma_start3A_43 = tpu.memref_slice %arg2[%mul3A_5, %dma_start3A_42] : memref<64x784xf32, #tpu.memory_space<hbm>> -> memref<2x784xf32, #tpu.memory_space<hbm>>
      tpu.enqueue_dma source(%dma_start3A_43 : memref<2x784xf32, #tpu.memory_space<hbm>>) target(%arg4 : memref<2x784xf32, #tpu.memory_space<vmem>>) target_semaphore(%run_scoped3A_40 : memref<!tpu.dma_semaphore, #tpu.memory_space<semaphore_mem>>)
      %dma_wait3A = arith.constant 0 : i32
      %dma_wait3A_44 = tpu.memref_slice %arg2[%mul3A_5, %dma_wait3A] : memref<64x784xf32, #tpu.memory_space<hbm>> -> memref<2x784xf32, #tpu.memory_space<hbm>>
      %dma_wait3A_45 = arith.constant 0 : i32
      %dma_wait3A_46 = tpu.memref_slice %arg2[%mul3A_5, %dma_wait3A_45] : memref<64x784xf32, #tpu.memory_space<hbm>> -> memref<2x784xf32, #tpu.memory_space<hbm>>
      tpu.wait_dma2 semaphore(%run_scoped3A_40 : memref<!tpu.dma_semaphore, #tpu.memory_space<semaphore_mem>>) src(%dma_wait3A_46 : memref<2x784xf32, #tpu.memory_space<hbm>>) dst(%arg4 : memref<2x784xf32, #tpu.memory_space<vmem>>)
      tpu.yield
    }) : () -> ()
    %parallel_loop3A = arith.constant 0 : i32
    %parallel_loop3A_6 = arith.constant 80 : i32
    %parallel_loop3A_7 = arith.constant 1 : i32
    scf.for %parallel_loop3A_40 = %parallel_loop3A to %parallel_loop3A_6 step %parallel_loop3A_7  : i32 {
      %parallel_loop3A_41 = arith.constant 16 : i32
      %parallel_loop3A_42 = arith.muli %parallel_loop3A_40, %parallel_loop3A_41 : i32
      %parallel_loop3A_43 = arith.index_cast %parallel_loop3A_42 : i32 to index
      %parallel_loop3A_44 = tpu.vector_load %arg5[%parallel_loop3A_43] {strides = array<i32>} : memref<1280xf32, #tpu.memory_space<vmem>>, vector<16xf32>,
      tpu.vector_store %arg5[%parallel_loop3A_43], %broadcast_in_dim3A_3 {strides = array<i32>} : memref<1280xf32, #tpu.memory_space<vmem>>, vector<16xf32>,
    } {sc.loop_unroll_factor = 1 : i64, sc.parallel_access}
    %parallel_loop3A_8 = arith.constant 0 : i32
    %parallel_loop3A_9 = arith.constant 112 : i32
    %parallel_loop3A_10 = arith.constant 1 : i32
    scf.for %parallel_loop3A_40 = %parallel_loop3A_8 to %parallel_loop3A_9 step %parallel_loop3A_10  : i32 {
      %parallel_loop3A_41 = arith.constant 56 : i32
      %parallel_loop3A_42 = arith.divsi %parallel_loop3A_40, %parallel_loop3A_41 : i32
      %parallel_loop3A_43 = arith.constant 0 : i32
      %parallel_loop3A_44 = arith.cmpi sgt, %parallel_loop3A_40, %parallel_loop3A_43 : i32
      %parallel_loop3A_45 = arith.extui %parallel_loop3A_44 : i1 to i32
      %parallel_loop3A_46 = arith.constant 0 : i32
      %parallel_loop3A_47 = arith.cmpi slt, %parallel_loop3A_40, %parallel_loop3A_46 : i32
      %parallel_loop3A_48 = arith.extui %parallel_loop3A_47 : i1 to i32
      %parallel_loop3A_49 = arith.subi %parallel_loop3A_45, %parallel_loop3A_48 : i32
      %parallel_loop3A_50 = arith.constant 0 : i32
      %parallel_loop3A_51 = arith.cmpi sgt, %parallel_loop3A_41, %parallel_loop3A_50 : i32
      %parallel_loop3A_52 = arith.extui %parallel_loop3A_51 : i1 to i32
      %parallel_loop3A_53 = arith.constant 0 : i32
      %parallel_loop3A_54 = arith.cmpi slt, %parallel_loop3A_41, %parallel_loop3A_53 : i32
      %parallel_loop3A_55 = arith.extui %parallel_loop3A_54 : i1 to i32
      %parallel_loop3A_56 = arith.subi %parallel_loop3A_52, %parallel_loop3A_55 : i32
      %parallel_loop3A_57 = arith.cmpi ne, %parallel_loop3A_49, %parallel_loop3A_56 : i32
      %parallel_loop3A_58 = arith.remsi %parallel_loop3A_40, %parallel_loop3A_41 : i32
      %parallel_loop3A_59 = arith.constant 0 : i32
      %parallel_loop3A_60 = arith.cmpi ne, %parallel_loop3A_58, %parallel_loop3A_59 : i32
      %parallel_loop3A_61 = arith.andi %parallel_loop3A_57, %parallel_loop3A_60 : i1
      %parallel_loop3A_62 = arith.constant 1 : i32
      %parallel_loop3A_63 = arith.subi %parallel_loop3A_42, %parallel_loop3A_62 : i32
      %parallel_loop3A_64 = arith.select %parallel_loop3A_61, %parallel_loop3A_63, %parallel_loop3A_42 : i32
      %parallel_loop3A_65 = arith.constant 56 : i32
      %parallel_loop3A_66 = arith.remsi %parallel_loop3A_40, %parallel_loop3A_65 : i32
      %parallel_loop3A_67 = arith.constant 2 : i32
      %parallel_loop3A_68 = arith.divsi %parallel_loop3A_66, %parallel_loop3A_67 : i32
      %parallel_loop3A_69 = arith.constant 0 : i32
      %parallel_loop3A_70 = arith.cmpi sgt, %parallel_loop3A_66, %parallel_loop3A_69 : i32
      %parallel_loop3A_71 = arith.extui %parallel_loop3A_70 : i1 to i32
      %parallel_loop3A_72 = arith.constant 0 : i32
      %parallel_loop3A_73 = arith.cmpi slt, %parallel_loop3A_66, %parallel_loop3A_72 : i32
      %parallel_loop3A_74 = arith.extui %parallel_loop3A_73 : i1 to i32
      %parallel_loop3A_75 = arith.subi %parallel_loop3A_71, %parallel_loop3A_74 : i32
      %parallel_loop3A_76 = arith.constant 0 : i32
      %parallel_loop3A_77 = arith.cmpi sgt, %parallel_loop3A_67, %parallel_loop3A_76 : i32
      %parallel_loop3A_78 = arith.extui %parallel_loop3A_77 : i1 to i32
      %parallel_loop3A_79 = arith.constant 0 : i32
      %parallel_loop3A_80 = arith.cmpi slt, %parallel_loop3A_67, %parallel_loop3A_79 : i32
      %parallel_loop3A_81 = arith.extui %parallel_loop3A_80 : i1 to i32
      %parallel_loop3A_82 = arith.subi %parallel_loop3A_78, %parallel_loop3A_81 : i32
      %parallel_loop3A_83 = arith.cmpi ne, %parallel_loop3A_75, %parallel_loop3A_82 : i32
      %parallel_loop3A_84 = arith.remsi %parallel_loop3A_66, %parallel_loop3A_67 : i32
      %parallel_loop3A_85 = arith.constant 0 : i32
      %parallel_loop3A_86 = arith.cmpi ne, %parallel_loop3A_84, %parallel_loop3A_85 : i32
      %parallel_loop3A_87 = arith.andi %parallel_loop3A_83, %parallel_loop3A_86 : i1
      %parallel_loop3A_88 = arith.constant 1 : i32
      %parallel_loop3A_89 = arith.subi %parallel_loop3A_68, %parallel_loop3A_88 : i32
      %parallel_loop3A_90 = arith.select %parallel_loop3A_87, %parallel_loop3A_89, %parallel_loop3A_68 : i32
      %parallel_loop3A_91 = arith.constant 2 : i32
      %parallel_loop3A_92 = arith.remsi %parallel_loop3A_66, %parallel_loop3A_91 : i32
      %parallel_loop3A_93 = arith.constant 4 : i32
      %parallel_loop3A_94 = arith.muli %parallel_loop3A_93, %parallel_loop3A_92 : i32
      %parallel_loop3A_95 = vector.broadcast %parallel_loop3A_94 : i32 to vector<16xi32>
      %parallel_loop3A_96 = arith.cmpi sge, %iota3A, %parallel_loop3A_95 : vector<16xi32>
      %parallel_loop3A_97 = arith.constant 12 : i32
      %parallel_loop3A_98 = arith.muli %parallel_loop3A_92, %parallel_loop3A_97 : i32
      %parallel_loop3A_99 = vector.broadcast %parallel_loop3A_98 : i32 to vector<16xi32>
      %parallel_loop3A_100 = arith.addi %parallel_loop3A_99, %iota3A : vector<16xi32>
      %parallel_loop3A_101 = arith.constant 28 : i32
      %parallel_loop3A_102 = arith.muli %parallel_loop3A_90, %parallel_loop3A_101 : i32
      %parallel_loop3A_103 = arith.constant 12 : i32
      %parallel_loop3A_104 = arith.muli %parallel_loop3A_92, %parallel_loop3A_103 : i32
      %parallel_loop3A_105 = arith.addi %parallel_loop3A_102, %parallel_loop3A_104 : i32
      %parallel_loop3A_106 = arith.index_cast %parallel_loop3A_64 : i32 to index
      %parallel_loop3A_107 = arith.index_cast %parallel_loop3A_105 : i32 to index
      %parallel_loop3A_108 = tpu.vector_load %arg4[%parallel_loop3A_106, %parallel_loop3A_107] {strides = array<i32>} : memref<2x784xf32, #tpu.memory_space<vmem>>, vector<16xf32>,
      %parallel_loop3A_109 = arith.constant 9.000000e+00 : f32
      %parallel_loop3A_110 = vector.broadcast %parallel_loop3A_109 : f32 to vector<16xf32>
      %parallel_loop3A_111 = arith.mulf %parallel_loop3A_108, %parallel_loop3A_110 : vector<16xf32>
      %parallel_loop3A_112 = arith.constant 5.000000e-01 : f32
      %parallel_loop3A_113 = vector.broadcast %parallel_loop3A_112 : f32 to vector<16xf32>
      %parallel_loop3A_114 = arith.addf %parallel_loop3A_111, %parallel_loop3A_113 : vector<16xf32>
      %parallel_loop3A_115 = arith.fptosi %parallel_loop3A_114 : vector<16xf32> to vector<16xi32>
      %parallel_loop3A_116 = arith.sitofp %parallel_loop3A_115 : vector<16xi32> to vector<16xf32>
      %parallel_loop3A_117 = arith.cmpf oeq, %parallel_loop3A_116, %parallel_loop3A_114 : vector<16xf32>
      %parallel_loop3A_118 = arith.constant 2 : i32
      %parallel_loop3A_119 = vector.broadcast %parallel_loop3A_118 : i32 to vector<16xi32>
      %parallel_loop3A_120 = arith.remsi %parallel_loop3A_115, %parallel_loop3A_119 : vector<16xi32>
      %parallel_loop3A_121 = arith.constant 1 : i32
      %parallel_loop3A_122 = vector.broadcast %parallel_loop3A_121 : i32 to vector<16xi32>
      %parallel_loop3A_123 = arith.cmpi eq, %parallel_loop3A_120, %parallel_loop3A_122 : vector<16xi32>
      %parallel_loop3A_124 = arith.andi %parallel_loop3A_117, %parallel_loop3A_123 : vector<16xi1>
      %parallel_loop3A_125 = arith.constant 1 : i32
      %parallel_loop3A_126 = vector.broadcast %parallel_loop3A_125 : i32 to vector<16xi32>
      %parallel_loop3A_127 = arith.subi %parallel_loop3A_115, %parallel_loop3A_126 : vector<16xi32>
      %parallel_loop3A_128 = arith.select %parallel_loop3A_124, %parallel_loop3A_127, %parallel_loop3A_115 : vector<16xi1>, vector<16xi32>
      %parallel_loop3A_129 = arith.constant 0 : i32
      %parallel_loop3A_130 = arith.constant 9 : i32
      %parallel_loop3A_131 = vector.broadcast %parallel_loop3A_129 : i32 to vector<16xi32>
      %parallel_loop3A_132 = arith.maxsi %parallel_loop3A_131, %parallel_loop3A_128 : vector<16xi32>
      %parallel_loop3A_133 = vector.broadcast %parallel_loop3A_130 : i32 to vector<16xi32>
      %parallel_loop3A_134 = arith.minsi %parallel_loop3A_133, %parallel_loop3A_132 : vector<16xi32>
      %parallel_loop3A_135 = arith.constant 640 : i32
      %parallel_loop3A_136 = arith.muli %parallel_loop3A_64, %parallel_loop3A_135 : i32
      %parallel_loop3A_137 = arith.constant 32 : i32
      %parallel_loop3A_138 = vector.broadcast %parallel_loop3A_137 : i32 to vector<16xi32>
      %parallel_loop3A_139 = arith.muli %parallel_loop3A_134, %parallel_loop3A_138 : vector<16xi32>
      %parallel_loop3A_140 = vector.broadcast %parallel_loop3A_136 : i32 to vector<16xi32>
      %parallel_loop3A_141 = arith.addi %parallel_loop3A_140, %parallel_loop3A_139 : vector<16xi32>
      %parallel_loop3A_142 = arith.addi %parallel_loop3A_141, %parallel_loop3A_100 : vector<16xi32>
      tpu.vector_store_idx %arg5[%parallel_loop3A_142], %broadcast_in_dim3A_1 masked %parallel_loop3A_96 {add = true} : memref<1280xf32, #tpu.memory_space<vmem>>[vector<16xi32>], vector<16xf32>, vector<16xi1>
      %parallel_loop3A_143 = arith.constant 640 : i32
      %parallel_loop3A_144 = arith.muli %parallel_loop3A_64, %parallel_loop3A_143 : i32
      %parallel_loop3A_145 = arith.constant 320 : i32
      %parallel_loop3A_146 = arith.addi %parallel_loop3A_144, %parallel_loop3A_145 : i32
      %parallel_loop3A_147 = arith.constant 32 : i32
      %parallel_loop3A_148 = vector.broadcast %parallel_loop3A_147 : i32 to vector<16xi32>
      %parallel_loop3A_149 = arith.muli %parallel_loop3A_134, %parallel_loop3A_148 : vector<16xi32>
      %parallel_loop3A_150 = vector.broadcast %parallel_loop3A_146 : i32 to vector<16xi32>
      %parallel_loop3A_151 = arith.addi %parallel_loop3A_150, %parallel_loop3A_149 : vector<16xi32>
      %parallel_loop3A_152 = vector.broadcast %parallel_loop3A_90 : i32 to vector<16xi32>
      %parallel_loop3A_153 = arith.addi %parallel_loop3A_151, %parallel_loop3A_152 : vector<16xi32>
      tpu.vector_store_idx %arg5[%parallel_loop3A_153], %broadcast_in_dim3A_1 masked %parallel_loop3A_96 {add = true} : memref<1280xf32, #tpu.memory_space<vmem>>[vector<16xi32>], vector<16xf32>, vector<16xi1>
    } {sc.loop_unroll_factor = 1 : i64, sc.parallel_access}
    %add3A_11 = arith.constant 0 : i32
    %add3A_12 = arith.addi %mul3A_5, %add3A_11 : i32
    %run_scoped3A = arith.constant 0 : i32
    "tpu.region"() ({
      %run_scoped3A_40 = tpu.sem_alloc : memref<!tpu.dma_semaphore, #tpu.memory_space<semaphore_mem>>
      %dma_start3A = arith.constant 0 : i32
      %dma_start3A_41 = tpu.memref_slice %arg5[%dma_start3A] : memref<1280xf32, #tpu.memory_space<vmem>> -> memref<128xf32, #tpu.memory_space<vmem>>
      %dma_start3A_42 = arith.constant 0 : i32
      %dma_start3A_43 = tpu.memref_slice %arg3[%add3A_12, %run_scoped3A, %dma_start3A_42] : memref<64x8x128xf32, #tpu.memory_space<hbm>> -> memref<1x1x128xf32, #tpu.memory_space<hbm>>
      %dma_start3A_44 = tpu.memref_squeeze %dma_start3A_43 : memref<1x1x128xf32, #tpu.memory_space<hbm>> -> memref<128xf32, #tpu.memory_space<hbm>>
      %dma_start3A_45 = arith.constant 0 : i32
      %dma_start3A_46 = tpu.memref_slice %arg3[%add3A_12, %run_scoped3A, %dma_start3A_45] : memref<64x8x128xf32, #tpu.memory_space<hbm>> -> memref<1x1x128xf32, #tpu.memory_space<hbm>>
      %dma_start3A_47 = tpu.memref_squeeze %dma_start3A_46 : memref<1x1x128xf32, #tpu.memory_space<hbm>> -> memref<128xf32, #tpu.memory_space<hbm>>
      %dma_start3A_48 = arith.constant 0 : i32
      %dma_start3A_49 = tpu.memref_slice %arg5[%dma_start3A_48] : memref<1280xf32, #tpu.memory_space<vmem>> -> memref<128xf32, #tpu.memory_space<vmem>>
      tpu.enqueue_dma source(%dma_start3A_49 : memref<128xf32, #tpu.memory_space<vmem>>) target(%dma_start3A_47 : memref<128xf32, #tpu.memory_space<hbm>>) target_semaphore(%run_scoped3A_40 : memref<!tpu.dma_semaphore, #tpu.memory_space<semaphore_mem>>)
      %dma_wait3A = arith.constant 0 : i32
      %dma_wait3A_50 = tpu.memref_slice %arg5[%dma_wait3A] : memref<1280xf32, #tpu.memory_space<vmem>> -> memref<128xf32, #tpu.memory_space<vmem>>
      %dma_wait3A_51 = arith.constant 0 : i32
      %dma_wait3A_52 = tpu.memref_slice %arg3[%add3A_12, %run_scoped3A, %dma_wait3A_51] : memref<64x8x128xf32, #tpu.memory_space<hbm>> -> memref<1x1x128xf32, #tpu.memory_space<hbm>>
      %dma_wait3A_53 = tpu.memref_squeeze %dma_wait3A_52 : memref<1x1x128xf32, #tpu.memory_space<hbm>> -> memref<128xf32, #tpu.memory_space<hbm>>
      %dma_wait3A_54 = arith.constant 0 : i32
      %dma_wait3A_55 = tpu.memref_slice %arg3[%add3A_12, %run_scoped3A, %dma_wait3A_54] : memref<64x8x128xf32, #tpu.memory_space<hbm>> -> memref<1x1x128xf32, #tpu.memory_space<hbm>>
      %dma_wait3A_56 = tpu.memref_squeeze %dma_wait3A_55 : memref<1x1x128xf32, #tpu.memory_space<hbm>> -> memref<128xf32, #tpu.memory_space<hbm>>
      %dma_wait3A_57 = arith.constant 0 : i32
      %dma_wait3A_58 = tpu.memref_slice %arg5[%dma_wait3A_57] : memref<1280xf32, #tpu.memory_space<vmem>> -> memref<128xf32, #tpu.memory_space<vmem>>
      tpu.wait_dma2 semaphore(%run_scoped3A_40 : memref<!tpu.dma_semaphore, #tpu.memory_space<semaphore_mem>>) src(%dma_wait3A_58 : memref<128xf32, #tpu.memory_space<vmem>>) dst(%dma_wait3A_56 : memref<128xf32, #tpu.memory_space<hbm>>)
      tpu.yield
    }) : () -> ()
    %add3A_13 = arith.constant 0 : i32
    %add3A_14 = arith.addi %mul3A_5, %add3A_13 : i32
    %run_scoped3A_15 = arith.constant 1 : i32
    "tpu.region"() ({
      %run_scoped3A_40 = tpu.sem_alloc : memref<!tpu.dma_semaphore, #tpu.memory_space<semaphore_mem>>
      %dma_start3A = arith.constant 128 : i32
      %dma_start3A_41 = tpu.memref_slice %arg5[%dma_start3A] : memref<1280xf32, #tpu.memory_space<vmem>> -> memref<128xf32, #tpu.memory_space<vmem>>
      %dma_start3A_42 = arith.constant 0 : i32
      %dma_start3A_43 = tpu.memref_slice %arg3[%add3A_14, %run_scoped3A_15, %dma_start3A_42] : memref<64x8x128xf32, #tpu.memory_space<hbm>> -> memref<1x1x128xf32, #tpu.memory_space<hbm>>
      %dma_start3A_44 = tpu.memref_squeeze %dma_start3A_43 : memref<1x1x128xf32, #tpu.memory_space<hbm>> -> memref<128xf32, #tpu.memory_space<hbm>>
      %dma_start3A_45 = arith.constant 0 : i32
      %dma_start3A_46 = tpu.memref_slice %arg3[%add3A_14, %run_scoped3A_15, %dma_start3A_45] : memref<64x8x128xf32, #tpu.memory_space<hbm>> -> memref<1x1x128xf32, #tpu.memory_space<hbm>>
      %dma_start3A_47 = tpu.memref_squeeze %dma_start3A_46 : memref<1x1x128xf32, #tpu.memory_space<hbm>> -> memref<128xf32, #tpu.memory_space<hbm>>
      %dma_start3A_48 = arith.constant 128 : i32
      %dma_start3A_49 = tpu.memref_slice %arg5[%dma_start3A_48] : memref<1280xf32, #tpu.memory_space<vmem>> -> memref<128xf32, #tpu.memory_space<vmem>>
      tpu.enqueue_dma source(%dma_start3A_49 : memref<128xf32, #tpu.memory_space<vmem>>) target(%dma_start3A_47 : memref<128xf32, #tpu.memory_space<hbm>>) target_semaphore(%run_scoped3A_40 : memref<!tpu.dma_semaphore, #tpu.memory_space<semaphore_mem>>)
      %dma_wait3A = arith.constant 128 : i32
      %dma_wait3A_50 = tpu.memref_slice %arg5[%dma_wait3A] : memref<1280xf32, #tpu.memory_space<vmem>> -> memref<128xf32, #tpu.memory_space<vmem>>
      %dma_wait3A_51 = arith.constant 0 : i32
      %dma_wait3A_52 = tpu.memref_slice %arg3[%add3A_14, %run_scoped3A_15, %dma_wait3A_51] : memref<64x8x128xf32, #tpu.memory_space<hbm>> -> memref<1x1x128xf32, #tpu.memory_space<hbm>>
      %dma_wait3A_53 = tpu.memref_squeeze %dma_wait3A_52 : memref<1x1x128xf32, #tpu.memory_space<hbm>> -> memref<128xf32, #tpu.memory_space<hbm>>
      %dma_wait3A_54 = arith.constant 0 : i32
      %dma_wait3A_55 = tpu.memref_slice %arg3[%add3A_14, %run_scoped3A_15, %dma_wait3A_54] : memref<64x8x128xf32, #tpu.memory_space<hbm>> -> memref<1x1x128xf32, #tpu.memory_space<hbm>>
      %dma_wait3A_56 = tpu.memref_squeeze %dma_wait3A_55 : memref<1x1x128xf32, #tpu.memory_space<hbm>> -> memref<128xf32, #tpu.memory_space<hbm>>
      %dma_wait3A_57 = arith.constant 128 : i32
      %dma_wait3A_58 = tpu.memref_slice %arg5[%dma_wait3A_57] : memref<1280xf32, #tpu.memory_space<vmem>> -> memref<128xf32, #tpu.memory_space<vmem>>
      tpu.wait_dma2 semaphore(%run_scoped3A_40 : memref<!tpu.dma_semaphore, #tpu.memory_space<semaphore_mem>>) src(%dma_wait3A_58 : memref<128xf32, #tpu.memory_space<vmem>>) dst(%dma_wait3A_56 : memref<128xf32, #tpu.memory_space<hbm>>)
      tpu.yield
    }) : () -> ()
    %add3A_16 = arith.constant 0 : i32
    %add3A_17 = arith.addi %mul3A_5, %add3A_16 : i32
    %run_scoped3A_18 = arith.constant 2 : i32
    "tpu.region"() ({
      %run_scoped3A_40 = tpu.sem_alloc : memref<!tpu.dma_semaphore, #tpu.memory_space<semaphore_mem>>
      %dma_start3A = arith.constant 256 : i32
      %dma_start3A_41 = tpu.memref_slice %arg5[%dma_start3A] : memref<1280xf32, #tpu.memory_space<vmem>> -> memref<128xf32, #tpu.memory_space<vmem>>
      %dma_start3A_42 = arith.constant 0 : i32
      %dma_start3A_43 = tpu.memref_slice %arg3[%add3A_17, %run_scoped3A_18, %dma_start3A_42] : memref<64x8x128xf32, #tpu.memory_space<hbm>> -> memref<1x1x128xf32, #tpu.memory_space<hbm>>
      %dma_start3A_44 = tpu.memref_squeeze %dma_start3A_43 : memref<1x1x128xf32, #tpu.memory_space<hbm>> -> memref<128xf32, #tpu.memory_space<hbm>>
      %dma_start3A_45 = arith.constant 0 : i32
      %dma_start3A_46 = tpu.memref_slice %arg3[%add3A_17, %run_scoped3A_18, %dma_start3A_45] : memref<64x8x128xf32, #tpu.memory_space<hbm>> -> memref<1x1x128xf32, #tpu.memory_space<hbm>>
      %dma_start3A_47 = tpu.memref_squeeze %dma_start3A_46 : memref<1x1x128xf32, #tpu.memory_space<hbm>> -> memref<128xf32, #tpu.memory_space<hbm>>
      %dma_start3A_48 = arith.constant 256 : i32
      %dma_start3A_49 = tpu.memref_slice %arg5[%dma_start3A_48] : memref<1280xf32, #tpu.memory_space<vmem>> -> memref<128xf32, #tpu.memory_space<vmem>>
      tpu.enqueue_dma source(%dma_start3A_49 : memref<128xf32, #tpu.memory_space<vmem>>) target(%dma_start3A_47 : memref<128xf32, #tpu.memory_space<hbm>>) target_semaphore(%run_scoped3A_40 : memref<!tpu.dma_semaphore, #tpu.memory_space<semaphore_mem>>)
      %dma_wait3A = arith.constant 256 : i32
      %dma_wait3A_50 = tpu.memref_slice %arg5[%dma_wait3A] : memref<1280xf32, #tpu.memory_space<vmem>> -> memref<128xf32, #tpu.memory_space<vmem>>
      %dma_wait3A_51 = arith.constant 0 : i32
      %dma_wait3A_52 = tpu.memref_slice %arg3[%add3A_17, %run_scoped3A_18, %dma_wait3A_51] : memref<64x8x128xf32, #tpu.memory_space<hbm>> -> memref<1x1x128xf32, #tpu.memory_space<hbm>>
      %dma_wait3A_53 = tpu.memref_squeeze %dma_wait3A_52 : memref<1x1x128xf32, #tpu.memory_space<hbm>> -> memref<128xf32, #tpu.memory_space<hbm>>
      %dma_wait3A_54 = arith.constant 0 : i32
      %dma_wait3A_55 = tpu.memref_slice %arg3[%add3A_17, %run_scoped3A_18, %dma_wait3A_54] : memref<64x8x128xf32, #tpu.memory_space<hbm>> -> memref<1x1x128xf32, #tpu.memory_space<hbm>>
      %dma_wait3A_56 = tpu.memref_squeeze %dma_wait3A_55 : memref<1x1x128xf32, #tpu.memory_space<hbm>> -> memref<128xf32, #tpu.memory_space<hbm>>
      %dma_wait3A_57 = arith.constant 256 : i32
      %dma_wait3A_58 = tpu.memref_slice %arg5[%dma_wait3A_57] : memref<1280xf32, #tpu.memory_space<vmem>> -> memref<128xf32, #tpu.memory_space<vmem>>
      tpu.wait_dma2 semaphore(%run_scoped3A_40 : memref<!tpu.dma_semaphore, #tpu.memory_space<semaphore_mem>>) src(%dma_wait3A_58 : memref<128xf32, #tpu.memory_space<vmem>>) dst(%dma_wait3A_56 : memref<128xf32, #tpu.memory_space<hbm>>)
      tpu.yield
    }) : () -> ()
    %add3A_19 = arith.constant 0 : i32
    %add3A_20 = arith.addi %mul3A_5, %add3A_19 : i32
    %run_scoped3A_21 = arith.constant 3 : i32
    "tpu.region"() ({
      %run_scoped3A_40 = tpu.sem_alloc : memref<!tpu.dma_semaphore, #tpu.memory_space<semaphore_mem>>
      %dma_start3A = arith.constant 384 : i32
      %dma_start3A_41 = tpu.memref_slice %arg5[%dma_start3A] : memref<1280xf32, #tpu.memory_space<vmem>> -> memref<128xf32, #tpu.memory_space<vmem>>
      %dma_start3A_42 = arith.constant 0 : i32
      %dma_start3A_43 = tpu.memref_slice %arg3[%add3A_20, %run_scoped3A_21, %dma_start3A_42] : memref<64x8x128xf32, #tpu.memory_space<hbm>> -> memref<1x1x128xf32, #tpu.memory_space<hbm>>
      %dma_start3A_44 = tpu.memref_squeeze %dma_start3A_43 : memref<1x1x128xf32, #tpu.memory_space<hbm>> -> memref<128xf32, #tpu.memory_space<hbm>>
      %dma_start3A_45 = arith.constant 0 : i32
      %dma_start3A_46 = tpu.memref_slice %arg3[%add3A_20, %run_scoped3A_21, %dma_start3A_45] : memref<64x8x128xf32, #tpu.memory_space<hbm>> -> memref<1x1x128xf32, #tpu.memory_space<hbm>>
      %dma_start3A_47 = tpu.memref_squeeze %dma_start3A_46 : memref<1x1x128xf32, #tpu.memory_space<hbm>> -> memref<128xf32, #tpu.memory_space<hbm>>
      %dma_start3A_48 = arith.constant 384 : i32
      %dma_start3A_49 = tpu.memref_slice %arg5[%dma_start3A_48] : memref<1280xf32, #tpu.memory_space<vmem>> -> memref<128xf32, #tpu.memory_space<vmem>>
      tpu.enqueue_dma source(%dma_start3A_49 : memref<128xf32, #tpu.memory_space<vmem>>) target(%dma_start3A_47 : memref<128xf32, #tpu.memory_space<hbm>>) target_semaphore(%run_scoped3A_40 : memref<!tpu.dma_semaphore, #tpu.memory_space<semaphore_mem>>)
      %dma_wait3A = arith.constant 384 : i32
      %dma_wait3A_50 = tpu.memref_slice %arg5[%dma_wait3A] : memref<1280xf32, #tpu.memory_space<vmem>> -> memref<128xf32, #tpu.memory_space<vmem>>
      %dma_wait3A_51 = arith.constant 0 : i32
      %dma_wait3A_52 = tpu.memref_slice %arg3[%add3A_20, %run_scoped3A_21, %dma_wait3A_51] : memref<64x8x128xf32, #tpu.memory_space<hbm>> -> memref<1x1x128xf32, #tpu.memory_space<hbm>>
      %dma_wait3A_53 = tpu.memref_squeeze %dma_wait3A_52 : memref<1x1x128xf32, #tpu.memory_space<hbm>> -> memref<128xf32, #tpu.memory_space<hbm>>
      %dma_wait3A_54 = arith.constant 0 : i32
      %dma_wait3A_55 = tpu.memref_slice %arg3[%add3A_20, %run_scoped3A_21, %dma_wait3A_54] : memref<64x8x128xf32, #tpu.memory_space<hbm>> -> memref<1x1x128xf32, #tpu.memory_space<hbm>>
      %dma_wait3A_56 = tpu.memref_squeeze %dma_wait3A_55 : memref<1x1x128xf32, #tpu.memory_space<hbm>> -> memref<128xf32, #tpu.memory_space<hbm>>
      %dma_wait3A_57 = arith.constant 384 : i32
      %dma_wait3A_58 = tpu.memref_slice %arg5[%dma_wait3A_57] : memref<1280xf32, #tpu.memory_space<vmem>> -> memref<128xf32, #tpu.memory_space<vmem>>
      tpu.wait_dma2 semaphore(%run_scoped3A_40 : memref<!tpu.dma_semaphore, #tpu.memory_space<semaphore_mem>>) src(%dma_wait3A_58 : memref<128xf32, #tpu.memory_space<vmem>>) dst(%dma_wait3A_56 : memref<128xf32, #tpu.memory_space<hbm>>)
      tpu.yield
    }) : () -> ()
    %add3A_22 = arith.constant 0 : i32
    %add3A_23 = arith.addi %mul3A_5, %add3A_22 : i32
    %run_scoped3A_24 = arith.constant 4 : i32
    "tpu.region"() ({
      %run_scoped3A_40 = tpu.sem_alloc : memref<!tpu.dma_semaphore, #tpu.memory_space<semaphore_mem>>
      %dma_start3A = arith.constant 512 : i32
      %dma_start3A_41 = tpu.memref_slice %arg5[%dma_start3A] : memref<1280xf32, #tpu.memory_space<vmem>> -> memref<128xf32, #tpu.memory_space<vmem>>
      %dma_start3A_42 = arith.constant 0 : i32
      %dma_start3A_43 = tpu.memref_slice %arg3[%add3A_23, %run_scoped3A_24, %dma_start3A_42] : memref<64x8x128xf32, #tpu.memory_space<hbm>> -> memref<1x1x128xf32, #tpu.memory_space<hbm>>
      %dma_start3A_44 = tpu.memref_squeeze %dma_start3A_43 : memref<1x1x128xf32, #tpu.memory_space<hbm>> -> memref<128xf32, #tpu.memory_space<hbm>>
      %dma_start3A_45 = arith.constant 0 : i32
      %dma_start3A_46 = tpu.memref_slice %arg3[%add3A_23, %run_scoped3A_24, %dma_start3A_45] : memref<64x8x128xf32, #tpu.memory_space<hbm>> -> memref<1x1x128xf32, #tpu.memory_space<hbm>>
      %dma_start3A_47 = tpu.memref_squeeze %dma_start3A_46 : memref<1x1x128xf32, #tpu.memory_space<hbm>> -> memref<128xf32, #tpu.memory_space<hbm>>
      %dma_start3A_48 = arith.constant 512 : i32
      %dma_start3A_49 = tpu.memref_slice %arg5[%dma_start3A_48] : memref<1280xf32, #tpu.memory_space<vmem>> -> memref<128xf32, #tpu.memory_space<vmem>>
      tpu.enqueue_dma source(%dma_start3A_49 : memref<128xf32, #tpu.memory_space<vmem>>) target(%dma_start3A_47 : memref<128xf32, #tpu.memory_space<hbm>>) target_semaphore(%run_scoped3A_40 : memref<!tpu.dma_semaphore, #tpu.memory_space<semaphore_mem>>)
      %dma_wait3A = arith.constant 512 : i32
      %dma_wait3A_50 = tpu.memref_slice %arg5[%dma_wait3A] : memref<1280xf32, #tpu.memory_space<vmem>> -> memref<128xf32, #tpu.memory_space<vmem>>
      %dma_wait3A_51 = arith.constant 0 : i32
      %dma_wait3A_52 = tpu.memref_slice %arg3[%add3A_23, %run_scoped3A_24, %dma_wait3A_51] : memref<64x8x128xf32, #tpu.memory_space<hbm>> -> memref<1x1x128xf32, #tpu.memory_space<hbm>>
      %dma_wait3A_53 = tpu.memref_squeeze %dma_wait3A_52 : memref<1x1x128xf32, #tpu.memory_space<hbm>> -> memref<128xf32, #tpu.memory_space<hbm>>
      %dma_wait3A_54 = arith.constant 0 : i32
      %dma_wait3A_55 = tpu.memref_slice %arg3[%add3A_23, %run_scoped3A_24, %dma_wait3A_54] : memref<64x8x128xf32, #tpu.memory_space<hbm>> -> memref<1x1x128xf32, #tpu.memory_space<hbm>>
      %dma_wait3A_56 = tpu.memref_squeeze %dma_wait3A_55 : memref<1x1x128xf32, #tpu.memory_space<hbm>> -> memref<128xf32, #tpu.memory_space<hbm>>
      %dma_wait3A_57 = arith.constant 512 : i32
      %dma_wait3A_58 = tpu.memref_slice %arg5[%dma_wait3A_57] : memref<1280xf32, #tpu.memory_space<vmem>> -> memref<128xf32, #tpu.memory_space<vmem>>
      tpu.wait_dma2 semaphore(%run_scoped3A_40 : memref<!tpu.dma_semaphore, #tpu.memory_space<semaphore_mem>>) src(%dma_wait3A_58 : memref<128xf32, #tpu.memory_space<vmem>>) dst(%dma_wait3A_56 : memref<128xf32, #tpu.memory_space<hbm>>)
      tpu.yield
    }) : () -> ()
    %add3A_25 = arith.constant 1 : i32
    %add3A_26 = arith.addi %mul3A_5, %add3A_25 : i32
    %run_scoped3A_27 = arith.constant 0 : i32
    "tpu.region"() ({
      %run_scoped3A_40 = tpu.sem_alloc : memref<!tpu.dma_semaphore, #tpu.memory_space<semaphore_mem>>
      %dma_start3A = arith.constant 640 : i32
      %dma_start3A_41 = tpu.memref_slice %arg5[%dma_start3A] : memref<1280xf32, #tpu.memory_space<vmem>> -> memref<128xf32, #tpu.memory_space<vmem>>
      %dma_start3A_42 = arith.constant 0 : i32
      %dma_start3A_43 = tpu.memref_slice %arg3[%add3A_26, %run_scoped3A_27, %dma_start3A_42] : memref<64x8x128xf32, #tpu.memory_space<hbm>> -> memref<1x1x128xf32, #tpu.memory_space<hbm>>
      %dma_start3A_44 = tpu.memref_squeeze %dma_start3A_43 : memref<1x1x128xf32, #tpu.memory_space<hbm>> -> memref<128xf32, #tpu.memory_space<hbm>>
      %dma_start3A_45 = arith.constant 0 : i32
      %dma_start3A_46 = tpu.memref_slice %arg3[%add3A_26, %run_scoped3A_27, %dma_start3A_45] : memref<64x8x128xf32, #tpu.memory_space<hbm>> -> memref<1x1x128xf32, #tpu.memory_space<hbm>>
      %dma_start3A_47 = tpu.memref_squeeze %dma_start3A_46 : memref<1x1x128xf32, #tpu.memory_space<hbm>> -> memref<128xf32, #tpu.memory_space<hbm>>
      %dma_start3A_48 = arith.constant 640 : i32
      %dma_start3A_49 = tpu.memref_slice %arg5[%dma_start3A_48] : memref<1280xf32, #tpu.memory_space<vmem>> -> memref<128xf32, #tpu.memory_space<vmem>>
      tpu.enqueue_dma source(%dma_start3A_49 : memref<128xf32, #tpu.memory_space<vmem>>) target(%dma_start3A_47 : memref<128xf32, #tpu.memory_space<hbm>>) target_semaphore(%run_scoped3A_40 : memref<!tpu.dma_semaphore, #tpu.memory_space<semaphore_mem>>)
      %dma_wait3A = arith.constant 640 : i32
      %dma_wait3A_50 = tpu.memref_slice %arg5[%dma_wait3A] : memref<1280xf32, #tpu.memory_space<vmem>> -> memref<128xf32, #tpu.memory_space<vmem>>
      %dma_wait3A_51 = arith.constant 0 : i32
      %dma_wait3A_52 = tpu.memref_slice %arg3[%add3A_26, %run_scoped3A_27, %dma_wait3A_51] : memref<64x8x128xf32, #tpu.memory_space<hbm>> -> memref<1x1x128xf32, #tpu.memory_space<hbm>>
      %dma_wait3A_53 = tpu.memref_squeeze %dma_wait3A_52 : memref<1x1x128xf32, #tpu.memory_space<hbm>> -> memref<128xf32, #tpu.memory_space<hbm>>
      %dma_wait3A_54 = arith.constant 0 : i32
      %dma_wait3A_55 = tpu.memref_slice %arg3[%add3A_26, %run_scoped3A_27, %dma_wait3A_54] : memref<64x8x128xf32, #tpu.memory_space<hbm>> -> memref<1x1x128xf32, #tpu.memory_space<hbm>>
      %dma_wait3A_56 = tpu.memref_squeeze %dma_wait3A_55 : memref<1x1x128xf32, #tpu.memory_space<hbm>> -> memref<128xf32, #tpu.memory_space<hbm>>
      %dma_wait3A_57 = arith.constant 640 : i32
      %dma_wait3A_58 = tpu.memref_slice %arg5[%dma_wait3A_57] : memref<1280xf32, #tpu.memory_space<vmem>> -> memref<128xf32, #tpu.memory_space<vmem>>
      tpu.wait_dma2 semaphore(%run_scoped3A_40 : memref<!tpu.dma_semaphore, #tpu.memory_space<semaphore_mem>>) src(%dma_wait3A_58 : memref<128xf32, #tpu.memory_space<vmem>>) dst(%dma_wait3A_56 : memref<128xf32, #tpu.memory_space<hbm>>)
      tpu.yield
    }) : () -> ()
    %add3A_28 = arith.constant 1 : i32
    %add3A_29 = arith.addi %mul3A_5, %add3A_28 : i32
    %run_scoped3A_30 = arith.constant 1 : i32
    "tpu.region"() ({
      %run_scoped3A_40 = tpu.sem_alloc : memref<!tpu.dma_semaphore, #tpu.memory_space<semaphore_mem>>
      %dma_start3A = arith.constant 768 : i32
      %dma_start3A_41 = tpu.memref_slice %arg5[%dma_start3A] : memref<1280xf32, #tpu.memory_space<vmem>> -> memref<128xf32, #tpu.memory_space<vmem>>
      %dma_start3A_42 = arith.constant 0 : i32
      %dma_start3A_43 = tpu.memref_slice %arg3[%add3A_29, %run_scoped3A_30, %dma_start3A_42] : memref<64x8x128xf32, #tpu.memory_space<hbm>> -> memref<1x1x128xf32, #tpu.memory_space<hbm>>
      %dma_start3A_44 = tpu.memref_squeeze %dma_start3A_43 : memref<1x1x128xf32, #tpu.memory_space<hbm>> -> memref<128xf32, #tpu.memory_space<hbm>>
      %dma_start3A_45 = arith.constant 0 : i32
      %dma_start3A_46 = tpu.memref_slice %arg3[%add3A_29, %run_scoped3A_30, %dma_start3A_45] : memref<64x8x128xf32, #tpu.memory_space<hbm>> -> memref<1x1x128xf32, #tpu.memory_space<hbm>>
      %dma_start3A_47 = tpu.memref_squeeze %dma_start3A_46 : memref<1x1x128xf32, #tpu.memory_space<hbm>> -> memref<128xf32, #tpu.memory_space<hbm>>
      %dma_start3A_48 = arith.constant 768 : i32
      %dma_start3A_49 = tpu.memref_slice %arg5[%dma_start3A_48] : memref<1280xf32, #tpu.memory_space<vmem>> -> memref<128xf32, #tpu.memory_space<vmem>>
      tpu.enqueue_dma source(%dma_start3A_49 : memref<128xf32, #tpu.memory_space<vmem>>) target(%dma_start3A_47 : memref<128xf32, #tpu.memory_space<hbm>>) target_semaphore(%run_scoped3A_40 : memref<!tpu.dma_semaphore, #tpu.memory_space<semaphore_mem>>)
      %dma_wait3A = arith.constant 768 : i32
      %dma_wait3A_50 = tpu.memref_slice %arg5[%dma_wait3A] : memref<1280xf32, #tpu.memory_space<vmem>> -> memref<128xf32, #tpu.memory_space<vmem>>
      %dma_wait3A_51 = arith.constant 0 : i32
      %dma_wait3A_52 = tpu.memref_slice %arg3[%add3A_29, %run_scoped3A_30, %dma_wait3A_51] : memref<64x8x128xf32, #tpu.memory_space<hbm>> -> memref<1x1x128xf32, #tpu.memory_space<hbm>>
      %dma_wait3A_53 = tpu.memref_squeeze %dma_wait3A_52 : memref<1x1x128xf32, #tpu.memory_space<hbm>> -> memref<128xf32, #tpu.memory_space<hbm>>
      %dma_wait3A_54 = arith.constant 0 : i32
      %dma_wait3A_55 = tpu.memref_slice %arg3[%add3A_29, %run_scoped3A_30, %dma_wait3A_54] : memref<64x8x128xf32, #tpu.memory_space<hbm>> -> memref<1x1x128xf32, #tpu.memory_space<hbm>>
      %dma_wait3A_56 = tpu.memref_squeeze %dma_wait3A_55 : memref<1x1x128xf32, #tpu.memory_space<hbm>> -> memref<128xf32, #tpu.memory_space<hbm>>
      %dma_wait3A_57 = arith.constant 768 : i32
      %dma_wait3A_58 = tpu.memref_slice %arg5[%dma_wait3A_57] : memref<1280xf32, #tpu.memory_space<vmem>> -> memref<128xf32, #tpu.memory_space<vmem>>
      tpu.wait_dma2 semaphore(%run_scoped3A_40 : memref<!tpu.dma_semaphore, #tpu.memory_space<semaphore_mem>>) src(%dma_wait3A_58 : memref<128xf32, #tpu.memory_space<vmem>>) dst(%dma_wait3A_56 : memref<128xf32, #tpu.memory_space<hbm>>)
      tpu.yield
    }) : () -> ()
    %add3A_31 = arith.constant 1 : i32
    %add3A_32 = arith.addi %mul3A_5, %add3A_31 : i32
    %run_scoped3A_33 = arith.constant 2 : i32
    "tpu.region"() ({
      %run_scoped3A_40 = tpu.sem_alloc : memref<!tpu.dma_semaphore, #tpu.memory_space<semaphore_mem>>
      %dma_start3A = arith.constant 896 : i32
      %dma_start3A_41 = tpu.memref_slice %arg5[%dma_start3A] : memref<1280xf32, #tpu.memory_space<vmem>> -> memref<128xf32, #tpu.memory_space<vmem>>
      %dma_start3A_42 = arith.constant 0 : i32
      %dma_start3A_43 = tpu.memref_slice %arg3[%add3A_32, %run_scoped3A_33, %dma_start3A_42] : memref<64x8x128xf32, #tpu.memory_space<hbm>> -> memref<1x1x128xf32, #tpu.memory_space<hbm>>
      %dma_start3A_44 = tpu.memref_squeeze %dma_start3A_43 : memref<1x1x128xf32, #tpu.memory_space<hbm>> -> memref<128xf32, #tpu.memory_space<hbm>>
      %dma_start3A_45 = arith.constant 0 : i32
      %dma_start3A_46 = tpu.memref_slice %arg3[%add3A_32, %run_scoped3A_33, %dma_start3A_45] : memref<64x8x128xf32, #tpu.memory_space<hbm>> -> memref<1x1x128xf32, #tpu.memory_space<hbm>>
      %dma_start3A_47 = tpu.memref_squeeze %dma_start3A_46 : memref<1x1x128xf32, #tpu.memory_space<hbm>> -> memref<128xf32, #tpu.memory_space<hbm>>
      %dma_start3A_48 = arith.constant 896 : i32
      %dma_start3A_49 = tpu.memref_slice %arg5[%dma_start3A_48] : memref<1280xf32, #tpu.memory_space<vmem>> -> memref<128xf32, #tpu.memory_space<vmem>>
      tpu.enqueue_dma source(%dma_start3A_49 : memref<128xf32, #tpu.memory_space<vmem>>) target(%dma_start3A_47 : memref<128xf32, #tpu.memory_space<hbm>>) target_semaphore(%run_scoped3A_40 : memref<!tpu.dma_semaphore, #tpu.memory_space<semaphore_mem>>)
      %dma_wait3A = arith.constant 896 : i32
      %dma_wait3A_50 = tpu.memref_slice %arg5[%dma_wait3A] : memref<1280xf32, #tpu.memory_space<vmem>> -> memref<128xf32, #tpu.memory_space<vmem>>
      %dma_wait3A_51 = arith.constant 0 : i32
      %dma_wait3A_52 = tpu.memref_slice %arg3[%add3A_32, %run_scoped3A_33, %dma_wait3A_51] : memref<64x8x128xf32, #tpu.memory_space<hbm>> -> memref<1x1x128xf32, #tpu.memory_space<hbm>>
      %dma_wait3A_53 = tpu.memref_squeeze %dma_wait3A_52 : memref<1x1x128xf32, #tpu.memory_space<hbm>> -> memref<128xf32, #tpu.memory_space<hbm>>
      %dma_wait3A_54 = arith.constant 0 : i32
      %dma_wait3A_55 = tpu.memref_slice %arg3[%add3A_32, %run_scoped3A_33, %dma_wait3A_54] : memref<64x8x128xf32, #tpu.memory_space<hbm>> -> memref<1x1x128xf32, #tpu.memory_space<hbm>>
      %dma_wait3A_56 = tpu.memref_squeeze %dma_wait3A_55 : memref<1x1x128xf32, #tpu.memory_space<hbm>> -> memref<128xf32, #tpu.memory_space<hbm>>
      %dma_wait3A_57 = arith.constant 896 : i32
      %dma_wait3A_58 = tpu.memref_slice %arg5[%dma_wait3A_57] : memref<1280xf32, #tpu.memory_space<vmem>> -> memref<128xf32, #tpu.memory_space<vmem>>
      tpu.wait_dma2 semaphore(%run_scoped3A_40 : memref<!tpu.dma_semaphore, #tpu.memory_space<semaphore_mem>>) src(%dma_wait3A_58 : memref<128xf32, #tpu.memory_space<vmem>>) dst(%dma_wait3A_56 : memref<128xf32, #tpu.memory_space<hbm>>)
      tpu.yield
    }) : () -> ()
    %add3A_34 = arith.constant 1 : i32
    %add3A_35 = arith.addi %mul3A_5, %add3A_34 : i32
    %run_scoped3A_36 = arith.constant 3 : i32
    "tpu.region"() ({
      %run_scoped3A_40 = tpu.sem_alloc : memref<!tpu.dma_semaphore, #tpu.memory_space<semaphore_mem>>
      %dma_start3A = arith.constant 1024 : i32
      %dma_start3A_41 = tpu.memref_slice %arg5[%dma_start3A] : memref<1280xf32, #tpu.memory_space<vmem>> -> memref<128xf32, #tpu.memory_space<vmem>>
      %dma_start3A_42 = arith.constant 0 : i32
      %dma_start3A_43 = tpu.memref_slice %arg3[%add3A_35, %run_scoped3A_36, %dma_start3A_42] : memref<64x8x128xf32, #tpu.memory_space<hbm>> -> memref<1x1x128xf32, #tpu.memory_space<hbm>>
      %dma_start3A_44 = tpu.memref_squeeze %dma_start3A_43 : memref<1x1x128xf32, #tpu.memory_space<hbm>> -> memref<128xf32, #tpu.memory_space<hbm>>
      %dma_start3A_45 = arith.constant 0 : i32
      %dma_start3A_46 = tpu.memref_slice %arg3[%add3A_35, %run_scoped3A_36, %dma_start3A_45] : memref<64x8x128xf32, #tpu.memory_space<hbm>> -> memref<1x1x128xf32, #tpu.memory_space<hbm>>
      %dma_start3A_47 = tpu.memref_squeeze %dma_start3A_46 : memref<1x1x128xf32, #tpu.memory_space<hbm>> -> memref<128xf32, #tpu.memory_space<hbm>>
      %dma_start3A_48 = arith.constant 1024 : i32
      %dma_start3A_49 = tpu.memref_slice %arg5[%dma_start3A_48] : memref<1280xf32, #tpu.memory_space<vmem>> -> memref<128xf32, #tpu.memory_space<vmem>>
      tpu.enqueue_dma source(%dma_start3A_49 : memref<128xf32, #tpu.memory_space<vmem>>) target(%dma_start3A_47 : memref<128xf32, #tpu.memory_space<hbm>>) target_semaphore(%run_scoped3A_40 : memref<!tpu.dma_semaphore, #tpu.memory_space<semaphore_mem>>)
      %dma_wait3A = arith.constant 1024 : i32
      %dma_wait3A_50 = tpu.memref_slice %arg5[%dma_wait3A] : memref<1280xf32, #tpu.memory_space<vmem>> -> memref<128xf32, #tpu.memory_space<vmem>>
      %dma_wait3A_51 = arith.constant 0 : i32
      %dma_wait3A_52 = tpu.memref_slice %arg3[%add3A_35, %run_scoped3A_36, %dma_wait3A_51] : memref<64x8x128xf32, #tpu.memory_space<hbm>> -> memref<1x1x128xf32, #tpu.memory_space<hbm>>
      %dma_wait3A_53 = tpu.memref_squeeze %dma_wait3A_52 : memref<1x1x128xf32, #tpu.memory_space<hbm>> -> memref<128xf32, #tpu.memory_space<hbm>>
      %dma_wait3A_54 = arith.constant 0 : i32
      %dma_wait3A_55 = tpu.memref_slice %arg3[%add3A_35, %run_scoped3A_36, %dma_wait3A_54] : memref<64x8x128xf32, #tpu.memory_space<hbm>> -> memref<1x1x128xf32, #tpu.memory_space<hbm>>
      %dma_wait3A_56 = tpu.memref_squeeze %dma_wait3A_55 : memref<1x1x128xf32, #tpu.memory_space<hbm>> -> memref<128xf32, #tpu.memory_space<hbm>>
      %dma_wait3A_57 = arith.constant 1024 : i32
      %dma_wait3A_58 = tpu.memref_slice %arg5[%dma_wait3A_57] : memref<1280xf32, #tpu.memory_space<vmem>> -> memref<128xf32, #tpu.memory_space<vmem>>
      tpu.wait_dma2 semaphore(%run_scoped3A_40 : memref<!tpu.dma_semaphore, #tpu.memory_space<semaphore_mem>>) src(%dma_wait3A_58 : memref<128xf32, #tpu.memory_space<vmem>>) dst(%dma_wait3A_56 : memref<128xf32, #tpu.memory_space<hbm>>)
      tpu.yield
    }) : () -> ()
    %add3A_37 = arith.constant 1 : i32
    %add3A_38 = arith.addi %mul3A_5, %add3A_37 : i32
    %run_scoped3A_39 = arith.constant 4 : i32
    "tpu.region"() ({
      %run_scoped3A_40 = tpu.sem_alloc : memref<!tpu.dma_semaphore, #tpu.memory_space<semaphore_mem>>
      %dma_start3A = arith.constant 1152 : i32
      %dma_start3A_41 = tpu.memref_slice %arg5[%dma_start3A] : memref<1280xf32, #tpu.memory_space<vmem>> -> memref<128xf32, #tpu.memory_space<vmem>>
      %dma_start3A_42 = arith.constant 0 : i32
      %dma_start3A_43 = tpu.memref_slice %arg3[%add3A_38, %run_scoped3A_39, %dma_start3A_42] : memref<64x8x128xf32, #tpu.memory_space<hbm>> -> memref<1x1x128xf32, #tpu.memory_space<hbm>>
      %dma_start3A_44 = tpu.memref_squeeze %dma_start3A_43 : memref<1x1x128xf32, #tpu.memory_space<hbm>> -> memref<128xf32, #tpu.memory_space<hbm>>
      %dma_start3A_45 = arith.constant 0 : i32
      %dma_start3A_46 = tpu.memref_slice %arg3[%add3A_38, %run_scoped3A_39, %dma_start3A_45] : memref<64x8x128xf32, #tpu.memory_space<hbm>> -> memref<1x1x128xf32, #tpu.memory_space<hbm>>
      %dma_start3A_47 = tpu.memref_squeeze %dma_start3A_46 : memref<1x1x128xf32, #tpu.memory_space<hbm>> -> memref<128xf32, #tpu.memory_space<hbm>>
      %dma_start3A_48 = arith.constant 1152 : i32
      %dma_start3A_49 = tpu.memref_slice %arg5[%dma_start3A_48] : memref<1280xf32, #tpu.memory_space<vmem>> -> memref<128xf32, #tpu.memory_space<vmem>>
      tpu.enqueue_dma source(%dma_start3A_49 : memref<128xf32, #tpu.memory_space<vmem>>) target(%dma_start3A_47 : memref<128xf32, #tpu.memory_space<hbm>>) target_semaphore(%run_scoped3A_40 : memref<!tpu.dma_semaphore, #tpu.memory_space<semaphore_mem>>)
      %dma_wait3A = arith.constant 1152 : i32
      %dma_wait3A_50 = tpu.memref_slice %arg5[%dma_wait3A] : memref<1280xf32, #tpu.memory_space<vmem>> -> memref<128xf32, #tpu.memory_space<vmem>>
      %dma_wait3A_51 = arith.constant 0 : i32
      %dma_wait3A_52 = tpu.memref_slice %arg3[%add3A_38, %run_scoped3A_39, %dma_wait3A_51] : memref<64x8x128xf32, #tpu.memory_space<hbm>> -> memref<1x1x128xf32, #tpu.memory_space<hbm>>
      %dma_wait3A_53 = tpu.memref_squeeze %dma_wait3A_52 : memref<1x1x128xf32, #tpu.memory_space<hbm>> -> memref<128xf32, #tpu.memory_space<hbm>>
      %dma_wait3A_54 = arith.constant 0 : i32
      %dma_wait3A_55 = tpu.memref_slice %arg3[%add3A_38, %run_scoped3A_39, %dma_wait3A_54] : memref<64x8x128xf32, #tpu.memory_space<hbm>> -> memref<1x1x128xf32, #tpu.memory_space<hbm>>
      %dma_wait3A_56 = tpu.memref_squeeze %dma_wait3A_55 : memref<1x1x128xf32, #tpu.memory_space<hbm>> -> memref<128xf32, #tpu.memory_space<hbm>>
      %dma_wait3A_57 = arith.constant 1152 : i32
      %dma_wait3A_58 = tpu.memref_slice %arg5[%dma_wait3A_57] : memref<1280xf32, #tpu.memory_space<vmem>> -> memref<128xf32, #tpu.memory_space<vmem>>
      tpu.wait_dma2 semaphore(%run_scoped3A_40 : memref<!tpu.dma_semaphore, #tpu.memory_space<semaphore_mem>>) src(%dma_wait3A_58 : memref<128xf32, #tpu.memory_space<vmem>>) dst(%dma_wait3A_56 : memref<128xf32, #tpu.memory_space<hbm>>)
      tpu.yield
    }) : () -> ()
    return
  }
}

module attributes {stable_mosaic.version = 14 : i64} {
  func.func @body(%arg0: memref<64x8x128xf32, #tpu.memory_space<vmem>>, %arg1: memref<28x1000xf32, #tpu.memory_space<vmem>>, %arg2: memref<28x1000xf32, #tpu.memory_space<vmem>>, %arg3: memref<10x1000xf32, #tpu.memory_space<vmem>>, %arg4: memref<10x1000xf32, #tpu.memory_space<vmem>>, %arg5: memref<10x64xf32, #tpu.memory_space<vmem>>) attributes {dimension_semantics = [], scalar_prefetch = 0 : i64, scratch_operands = 0 : i64, tpu.core_type = #tpu.core_type<tc>} {
    %broadcast_in_dim3A = arith.constant 0.000000e+00 : f32
    %broadcast_in_dim3A_0 = vector.broadcast %broadcast_in_dim3A : f32 to vector<4x1000xf32>
    %get3A = arith.constant 0 : index
    %get3A_1 = arith.constant 0 : index
    %get3A_2 = vector.load %arg1[%get3A, %get3A_1] : memref<28x1000xf32, #tpu.memory_space<vmem>>, vector<28x1000xf32>
    %concatenate3A = tpu.concatenate %get3A_2, %broadcast_in_dim3A_0 in 0 : vector<28x1000xf32>, vector<4x1000xf32> -> vector<32x1000xf32>
    %get3A_3 = arith.constant 0 : index
    %get3A_4 = arith.constant 0 : index
    %get3A_5 = vector.load %arg2[%get3A_3, %get3A_4] : memref<28x1000xf32, #tpu.memory_space<vmem>>, vector<28x1000xf32>
    %concatenate3A_6 = tpu.concatenate %get3A_5, %broadcast_in_dim3A_0 in 0 : vector<28x1000xf32>, vector<4x1000xf32> -> vector<32x1000xf32>
    %get3A_7 = arith.constant 0 : index
    %get3A_8 = arith.constant 0 : index
    %get3A_9 = vector.load %arg3[%get3A_7, %get3A_8] : memref<10x1000xf32, #tpu.memory_space<vmem>>, vector<1x1000xf32>
    %mul3A = vector.broadcast %get3A_9 : vector<1x1000xf32> to vector<32x1000xf32>
    %mul3A_10 = arith.mulf %mul3A, %concatenate3A : vector<32x1000xf32>
    %get3A_11 = arith.constant 1 : index
    %get3A_12 = arith.constant 0 : index
    %get3A_13 = vector.load %arg3[%get3A_11, %get3A_12] : memref<10x1000xf32, #tpu.memory_space<vmem>>, vector<1x1000xf32>
    %mul3A_14 = vector.broadcast %get3A_13 : vector<1x1000xf32> to vector<32x1000xf32>
    %mul3A_15 = arith.mulf %mul3A_14, %concatenate3A : vector<32x1000xf32>
    %get3A_16 = arith.constant 2 : index
    %get3A_17 = arith.constant 0 : index
    %get3A_18 = vector.load %arg3[%get3A_16, %get3A_17] : memref<10x1000xf32, #tpu.memory_space<vmem>>, vector<1x1000xf32>
    %mul3A_19 = vector.broadcast %get3A_18 : vector<1x1000xf32> to vector<32x1000xf32>
    %mul3A_20 = arith.mulf %mul3A_19, %concatenate3A : vector<32x1000xf32>
    %get3A_21 = arith.constant 3 : index
    %get3A_22 = arith.constant 0 : index
    %get3A_23 = vector.load %arg3[%get3A_21, %get3A_22] : memref<10x1000xf32, #tpu.memory_space<vmem>>, vector<1x1000xf32>
    %mul3A_24 = vector.broadcast %get3A_23 : vector<1x1000xf32> to vector<32x1000xf32>
    %mul3A_25 = arith.mulf %mul3A_24, %concatenate3A : vector<32x1000xf32>
    %get3A_26 = arith.constant 4 : index
    %get3A_27 = arith.constant 0 : index
    %get3A_28 = vector.load %arg3[%get3A_26, %get3A_27] : memref<10x1000xf32, #tpu.memory_space<vmem>>, vector<1x1000xf32>
    %mul3A_29 = vector.broadcast %get3A_28 : vector<1x1000xf32> to vector<32x1000xf32>
    %mul3A_30 = arith.mulf %mul3A_29, %concatenate3A : vector<32x1000xf32>
    %get3A_31 = arith.constant 5 : index
    %get3A_32 = arith.constant 0 : index
    %get3A_33 = vector.load %arg3[%get3A_31, %get3A_32] : memref<10x1000xf32, #tpu.memory_space<vmem>>, vector<1x1000xf32>
    %mul3A_34 = vector.broadcast %get3A_33 : vector<1x1000xf32> to vector<32x1000xf32>
    %mul3A_35 = arith.mulf %mul3A_34, %concatenate3A : vector<32x1000xf32>
    %get3A_36 = arith.constant 6 : index
    %get3A_37 = arith.constant 0 : index
    %get3A_38 = vector.load %arg3[%get3A_36, %get3A_37] : memref<10x1000xf32, #tpu.memory_space<vmem>>, vector<1x1000xf32>
    %mul3A_39 = vector.broadcast %get3A_38 : vector<1x1000xf32> to vector<32x1000xf32>
    %mul3A_40 = arith.mulf %mul3A_39, %concatenate3A : vector<32x1000xf32>
    %get3A_41 = arith.constant 7 : index
    %get3A_42 = arith.constant 0 : index
    %get3A_43 = vector.load %arg3[%get3A_41, %get3A_42] : memref<10x1000xf32, #tpu.memory_space<vmem>>, vector<1x1000xf32>
    %mul3A_44 = vector.broadcast %get3A_43 : vector<1x1000xf32> to vector<32x1000xf32>
    %mul3A_45 = arith.mulf %mul3A_44, %concatenate3A : vector<32x1000xf32>
    %get3A_46 = arith.constant 8 : index
    %get3A_47 = arith.constant 0 : index
    %get3A_48 = vector.load %arg3[%get3A_46, %get3A_47] : memref<10x1000xf32, #tpu.memory_space<vmem>>, vector<1x1000xf32>
    %mul3A_49 = vector.broadcast %get3A_48 : vector<1x1000xf32> to vector<32x1000xf32>
    %mul3A_50 = arith.mulf %mul3A_49, %concatenate3A : vector<32x1000xf32>
    %get3A_51 = arith.constant 9 : index
    %get3A_52 = arith.constant 0 : index
    %get3A_53 = vector.load %arg3[%get3A_51, %get3A_52] : memref<10x1000xf32, #tpu.memory_space<vmem>>, vector<1x1000xf32>
    %mul3A_54 = vector.broadcast %get3A_53 : vector<1x1000xf32> to vector<32x1000xf32>
    %mul3A_55 = arith.mulf %mul3A_54, %concatenate3A : vector<32x1000xf32>
    %get3A_56 = arith.constant 0 : index
    %get3A_57 = arith.constant 0 : index
    %get3A_58 = vector.load %arg3[%get3A_56, %get3A_57] : memref<10x1000xf32, #tpu.memory_space<vmem>>, vector<1x1000xf32>
    %mul3A_59 = vector.broadcast %get3A_58 : vector<1x1000xf32> to vector<32x1000xf32>
    %mul3A_60 = arith.mulf %mul3A_59, %concatenate3A_6 : vector<32x1000xf32>
    %get3A_61 = arith.constant 1 : index
    %get3A_62 = arith.constant 0 : index
    %get3A_63 = vector.load %arg3[%get3A_61, %get3A_62] : memref<10x1000xf32, #tpu.memory_space<vmem>>, vector<1x1000xf32>
    %mul3A_64 = vector.broadcast %get3A_63 : vector<1x1000xf32> to vector<32x1000xf32>
    %mul3A_65 = arith.mulf %mul3A_64, %concatenate3A_6 : vector<32x1000xf32>
    %get3A_66 = arith.constant 2 : index
    %get3A_67 = arith.constant 0 : index
    %get3A_68 = vector.load %arg3[%get3A_66, %get3A_67] : memref<10x1000xf32, #tpu.memory_space<vmem>>, vector<1x1000xf32>
    %mul3A_69 = vector.broadcast %get3A_68 : vector<1x1000xf32> to vector<32x1000xf32>
    %mul3A_70 = arith.mulf %mul3A_69, %concatenate3A_6 : vector<32x1000xf32>
    %get3A_71 = arith.constant 3 : index
    %get3A_72 = arith.constant 0 : index
    %get3A_73 = vector.load %arg3[%get3A_71, %get3A_72] : memref<10x1000xf32, #tpu.memory_space<vmem>>, vector<1x1000xf32>
    %mul3A_74 = vector.broadcast %get3A_73 : vector<1x1000xf32> to vector<32x1000xf32>
    %mul3A_75 = arith.mulf %mul3A_74, %concatenate3A_6 : vector<32x1000xf32>
    %get3A_76 = arith.constant 4 : index
    %get3A_77 = arith.constant 0 : index
    %get3A_78 = vector.load %arg3[%get3A_76, %get3A_77] : memref<10x1000xf32, #tpu.memory_space<vmem>>, vector<1x1000xf32>
    %mul3A_79 = vector.broadcast %get3A_78 : vector<1x1000xf32> to vector<32x1000xf32>
    %mul3A_80 = arith.mulf %mul3A_79, %concatenate3A_6 : vector<32x1000xf32>
    %get3A_81 = arith.constant 5 : index
    %get3A_82 = arith.constant 0 : index
    %get3A_83 = vector.load %arg3[%get3A_81, %get3A_82] : memref<10x1000xf32, #tpu.memory_space<vmem>>, vector<1x1000xf32>
    %mul3A_84 = vector.broadcast %get3A_83 : vector<1x1000xf32> to vector<32x1000xf32>
    %mul3A_85 = arith.mulf %mul3A_84, %concatenate3A_6 : vector<32x1000xf32>
    %get3A_86 = arith.constant 6 : index
    %get3A_87 = arith.constant 0 : index
    %get3A_88 = vector.load %arg3[%get3A_86, %get3A_87] : memref<10x1000xf32, #tpu.memory_space<vmem>>, vector<1x1000xf32>
    %mul3A_89 = vector.broadcast %get3A_88 : vector<1x1000xf32> to vector<32x1000xf32>
    %mul3A_90 = arith.mulf %mul3A_89, %concatenate3A_6 : vector<32x1000xf32>
    %get3A_91 = arith.constant 7 : index
    %get3A_92 = arith.constant 0 : index
    %get3A_93 = vector.load %arg3[%get3A_91, %get3A_92] : memref<10x1000xf32, #tpu.memory_space<vmem>>, vector<1x1000xf32>
    %mul3A_94 = vector.broadcast %get3A_93 : vector<1x1000xf32> to vector<32x1000xf32>
    %mul3A_95 = arith.mulf %mul3A_94, %concatenate3A_6 : vector<32x1000xf32>
    %get3A_96 = arith.constant 8 : index
    %get3A_97 = arith.constant 0 : index
    %get3A_98 = vector.load %arg3[%get3A_96, %get3A_97] : memref<10x1000xf32, #tpu.memory_space<vmem>>, vector<1x1000xf32>
    %mul3A_99 = vector.broadcast %get3A_98 : vector<1x1000xf32> to vector<32x1000xf32>
    %mul3A_100 = arith.mulf %mul3A_99, %concatenate3A_6 : vector<32x1000xf32>
    %get3A_101 = arith.constant 9 : index
    %get3A_102 = arith.constant 0 : index
    %get3A_103 = vector.load %arg3[%get3A_101, %get3A_102] : memref<10x1000xf32, #tpu.memory_space<vmem>>, vector<1x1000xf32>
    %mul3A_104 = vector.broadcast %get3A_103 : vector<1x1000xf32> to vector<32x1000xf32>
    %mul3A_105 = arith.mulf %mul3A_104, %concatenate3A_6 : vector<32x1000xf32>
    %concatenate3A_106 = tpu.concatenate %mul3A_10, %mul3A_15, %mul3A_20, %mul3A_25, %mul3A_30, %mul3A_35, %mul3A_40, %mul3A_45, %mul3A_50, %mul3A_55, %mul3A_60, %mul3A_65, %mul3A_70, %mul3A_75, %mul3A_80, %mul3A_85, %mul3A_90, %mul3A_95, %mul3A_100, %mul3A_105 in 0 : vector<32x1000xf32>, vector<32x1000xf32>, vector<32x1000xf32>, vector<32x1000xf32>, vector<32x1000xf32>, vector<32x1000xf32>, vector<32x1000xf32>, vector<32x1000xf32>, vector<32x1000xf32>, vector<32x1000xf32>, vector<32x1000xf32>, vector<32x1000xf32>, vector<32x1000xf32>, vector<32x1000xf32>, vector<32x1000xf32>, vector<32x1000xf32>, vector<32x1000xf32>, vector<32x1000xf32>, vector<32x1000xf32>, vector<32x1000xf32> -> vector<640x1000xf32>
    %broadcast_in_dim3A_107 = arith.constant 0.000000e+00 : f32
    %broadcast_in_dim3A_108 = vector.broadcast %broadcast_in_dim3A_107 : f32 to vector<64x1000xf32>
    %get3A_109 = arith.constant 0 : index
    %get3A_110 = arith.constant 0 : index
    %get3A_111 = arith.constant 0 : index
    %get3A_112 = vector.load %arg0[%get3A_109, %get3A_110, %get3A_111] : memref<64x8x128xf32, #tpu.memory_space<vmem>>, vector<64x1x128xf32>
    %get3A_113 = vector.shape_cast %get3A_112 : vector<64x1x128xf32> to vector<64x128xf32>
    %slice3A = vector.extract_strided_slice %concatenate3A_106 {offsets = [0, 0], sizes = [128, 1000], strides = [1, 1]} : vector<640x1000xf32> to vector<128x1000xf32>
    %dot_general3A = arith.constant dense<0.000000e+00> : vector<64x1000xf32>
    %dot_general3A_114 = tpu.matmul %get3A_113, %slice3A, %dot_general3A {dimension_numbers = #tpu.dot_dimension_numbers<[1], [0], [0], [1], [0, 0, 1, 1], [], []>, transpose_lhs_hint = false} : vector<64x128xf32>, vector<128x1000xf32>, vector<64x1000xf32> -> vector<64x1000xf32>
    %add3A = arith.addf %broadcast_in_dim3A_108, %dot_general3A_114 : vector<64x1000xf32>
    %get3A_115 = arith.constant 0 : index
    %get3A_116 = arith.constant 1 : index
    %get3A_117 = arith.constant 0 : index
    %get3A_118 = vector.load %arg0[%get3A_115, %get3A_116, %get3A_117] : memref<64x8x128xf32, #tpu.memory_space<vmem>>, vector<64x1x128xf32>
    %get3A_119 = vector.shape_cast %get3A_118 : vector<64x1x128xf32> to vector<64x128xf32>
    %slice3A_120 = vector.extract_strided_slice %concatenate3A_106 {offsets = [128, 0], sizes = [128, 1000], strides = [1, 1]} : vector<640x1000xf32> to vector<128x1000xf32>
    %dot_general3A_121 = arith.constant dense<0.000000e+00> : vector<64x1000xf32>
    %dot_general3A_122 = tpu.matmul %get3A_119, %slice3A_120, %dot_general3A_121 {dimension_numbers = #tpu.dot_dimension_numbers<[1], [0], [0], [1], [0, 0, 1, 1], [], []>, transpose_lhs_hint = false} : vector<64x128xf32>, vector<128x1000xf32>, vector<64x1000xf32> -> vector<64x1000xf32>
    %add3A_123 = arith.addf %add3A, %dot_general3A_122 : vector<64x1000xf32>
    %get3A_124 = arith.constant 0 : index
    %get3A_125 = arith.constant 2 : index
    %get3A_126 = arith.constant 0 : index
    %get3A_127 = vector.load %arg0[%get3A_124, %get3A_125, %get3A_126] : memref<64x8x128xf32, #tpu.memory_space<vmem>>, vector<64x1x128xf32>
    %get3A_128 = vector.shape_cast %get3A_127 : vector<64x1x128xf32> to vector<64x128xf32>
    %slice3A_129 = vector.extract_strided_slice %concatenate3A_106 {offsets = [256, 0], sizes = [128, 1000], strides = [1, 1]} : vector<640x1000xf32> to vector<128x1000xf32>
    %dot_general3A_130 = arith.constant dense<0.000000e+00> : vector<64x1000xf32>
    %dot_general3A_131 = tpu.matmul %get3A_128, %slice3A_129, %dot_general3A_130 {dimension_numbers = #tpu.dot_dimension_numbers<[1], [0], [0], [1], [0, 0, 1, 1], [], []>, transpose_lhs_hint = false} : vector<64x128xf32>, vector<128x1000xf32>, vector<64x1000xf32> -> vector<64x1000xf32>
    %add3A_132 = arith.addf %add3A_123, %dot_general3A_131 : vector<64x1000xf32>
    %get3A_133 = arith.constant 0 : index
    %get3A_134 = arith.constant 3 : index
    %get3A_135 = arith.constant 0 : index
    %get3A_136 = vector.load %arg0[%get3A_133, %get3A_134, %get3A_135] : memref<64x8x128xf32, #tpu.memory_space<vmem>>, vector<64x1x128xf32>
    %get3A_137 = vector.shape_cast %get3A_136 : vector<64x1x128xf32> to vector<64x128xf32>
    %slice3A_138 = vector.extract_strided_slice %concatenate3A_106 {offsets = [384, 0], sizes = [128, 1000], strides = [1, 1]} : vector<640x1000xf32> to vector<128x1000xf32>
    %dot_general3A_139 = arith.constant dense<0.000000e+00> : vector<64x1000xf32>
    %dot_general3A_140 = tpu.matmul %get3A_137, %slice3A_138, %dot_general3A_139 {dimension_numbers = #tpu.dot_dimension_numbers<[1], [0], [0], [1], [0, 0, 1, 1], [], []>, transpose_lhs_hint = false} : vector<64x128xf32>, vector<128x1000xf32>, vector<64x1000xf32> -> vector<64x1000xf32>
    %add3A_141 = arith.addf %add3A_132, %dot_general3A_140 : vector<64x1000xf32>
    %get3A_142 = arith.constant 0 : index
    %get3A_143 = arith.constant 4 : index
    %get3A_144 = arith.constant 0 : index
    %get3A_145 = vector.load %arg0[%get3A_142, %get3A_143, %get3A_144] : memref<64x8x128xf32, #tpu.memory_space<vmem>>, vector<64x1x128xf32>
    %get3A_146 = vector.shape_cast %get3A_145 : vector<64x1x128xf32> to vector<64x128xf32>
    %slice3A_147 = vector.extract_strided_slice %concatenate3A_106 {offsets = [512, 0], sizes = [128, 1000], strides = [1, 1]} : vector<640x1000xf32> to vector<128x1000xf32>
    %dot_general3A_148 = arith.constant dense<0.000000e+00> : vector<64x1000xf32>
    %dot_general3A_149 = tpu.matmul %get3A_146, %slice3A_147, %dot_general3A_148 {dimension_numbers = #tpu.dot_dimension_numbers<[1], [0], [0], [1], [0, 0, 1, 1], [], []>, transpose_lhs_hint = false} : vector<64x128xf32>, vector<128x1000xf32>, vector<64x1000xf32> -> vector<64x1000xf32>
    %add3A_150 = arith.addf %add3A_141, %dot_general3A_149 : vector<64x1000xf32>
    %gt3A = arith.constant 0.000000e+00 : f32
    %gt3A_151 = vector.broadcast %gt3A : f32 to vector<64x1000xf32>
    %gt3A_152 = arith.cmpf ogt, %add3A_150, %gt3A_151 : vector<64x1000xf32>
    %jit3A = arith.constant 1.000000e+00 : f32
    %jit3A_153 = arith.constant -1.000000e+00 : f32
    %broadcast_in_dim3A_154 = vector.broadcast %jit3A : f32 to vector<64x1000xf32>
    %broadcast_in_dim3A_155 = vector.broadcast %jit3A_153 : f32 to vector<64x1000xf32>
    %select_n3A = arith.select %gt3A_152, %broadcast_in_dim3A_154, %broadcast_in_dim3A_155 : vector<64x1000xi1>, vector<64x1000xf32>
    %get3A_156 = arith.constant 0 : index
    %get3A_157 = arith.constant 0 : index
    %get3A_158 = vector.load %arg4[%get3A_156, %get3A_157] : memref<10x1000xf32, #tpu.memory_space<vmem>>, vector<10x1000xf32>
    %dot_general3A_159 = arith.constant dense<0.000000e+00> : vector<10x64xf32>
    %dot_general3A_160 = tpu.matmul %get3A_158, %select_n3A, %dot_general3A_159 {dimension_numbers = #tpu.dot_dimension_numbers<[1], [1], [0], [0], [0, 0, 1, 0], [], []>, precision = #tpu.contract_precision<fp32>, transpose_lhs_hint = false} : vector<10x1000xf32>, vector<64x1000xf32>, vector<10x64xf32> -> vector<10x64xf32>
    %swap3A = arith.constant 0 : index
    %swap3A_161 = arith.constant 0 : index
    %swap3A_162 = vector.load %arg5[%swap3A, %swap3A_161] : memref<10x64xf32, #tpu.memory_space<vmem>>, vector<10x64xf32>
    tpu.vector_store %arg5[%swap3A, %swap3A_161], %dot_general3A_160 {strides = array<i32>} : memref<10x64xf32, #tpu.memory_space<vmem>>, vector<10x64xf32>,
    return
  }
}

</mosaic_0001>

<sc_bundles>
// kernel: kernel.4.cloned.1.call-start
scs
__scs_entry_jumppad:
0x0: {  	(pc) =	sbr.rel $0x88, $3  }
0x1: {  	(tag) =	ssettag $0x0;
	lr =	simm.s32 $0x1  }
0x2: {  	[smem:$0x3F9C] =	sst lr;
	_ =	strace $0xD0000000  }
0x3: {  	_ = 	snop  }
0x4: {  	_ = 	snop  }
0x5: {  	_ = 	snop  }
0x6: {  	_ = 	snop  }
0x7: {  	_ = 	snop  }
__scs_overlays_trampoline_lowered:
0x8: {  	[smem:$0x3FAB] =	sst s0  }
0x9: {  	[smem:$0x3FAC] =	sst s1  }
0xa: {  	[smem:$0x3FAD] =	sst s2  }
0xb: {  	[smem:$0x3FAE] =	sst s3  }
0xc: {  	[smem:$0x3FAF] =	sst s4  }
0xd: {  	[smem:$0x3FB0] =	sst s5  }
0xe: {  	[smem:$0x3FB1] =	sst s6  }
0xf: {  	[smem:$0x3FB2] =	sst s7  }
0x10: {  	[smem:$0x3FB3] =	sst s8  }
0x11: {  	[smem:$0x3FB4] =	sst s9;
	s0 =	simm.s32 @!p0 $0x0  }
0x12: {  	s1 =	sld [smem:$0x3F9A];
	s0 =	simm.s32 @p0 $0x1  }
0x13: {  	[smem:$0x3FB5] =	sst s0;
	s0 =	simm.s32 @!p1 $0x0  }
0x14: {  	s2 =	sld [smem:$0x3F99];
	s0 =	simm.s32 @p1 $0x1  }
0x15: {  	[smem:$0x3FB6] =	sst s0;
	s0 =	simm.s32 @!p2 $0x0  }
0x16: {  	s3 =	sld [smem:$0x3FDB];
	s0 =	simm.s32 @p2 $0x1  }
0x17: {  	s4 =	simm.s32 $0x1BF5;
	[smem:$0x3FB8] =	sst s0  }
0x18: {  	s0 =	sld [smem:$0x3F9B];
	_ =	swait.ge [sflag:s4], $0x0  }
0x19: {  	s7 =	sld [smem:$0x3F9C]  }
0x1a: {  	s8 =	sadd.s32 $0xFFFFE003, lr  }
0x1b: {  	s9 =	sadd.s32 $0xFFFFFEF7, lr;
	s5 =	simm.s32 $0xFFFFFFFF;
	p2 =	slt.u32 s8, $0xFFFFF086  }
0x1c: {  	p1 =	slt.u32 s9, $0xF7A;
	s5 =	simm.s32 @!p2 $0x0  }
0x1d: {  	s5 =	simm.s32 @p1 $0x1;
	p0 =	seq.s32 s7, s2  }
0x1e: {  	s7 =	smul.u32 @!p0 $0xF7A, s2;
	p2 =	seq.s32 @!p0 s5, $0x0  }
0x1f: {  	s9 =	smul.u32 $0xF7A, s1;
	s8 =	simm.s32 @!p0 $0x1BF5;
	p2 =	por !p2, p0  }
0x20: {  	[sflag:s8] =	ssyncset.s32 @!p0 $0xFFFFF086;
	s6 =	sadd.s32 @!p0 s3, s7;
	s7 =	simm.s32 @!p0 $0x108  }
0x21: {  	s3 =	sadd.s32 s3, s9;
	s6 =	sadd.s32 @!p0 $0x88, s6;
	s7 =	simm.s32 @p2 $0x1082  }
0x22: {  	[simem:s7], [sflag:s8] =	dma.local @!p0 [hbm:s6], $0xF7A  }
0x23: {  	s9 =	sor.u32 $0xD0000000, s2;
	s6 =	simm.s32 $0x108;
	_ =	swait.ge @!p0 [sflag:s8], $0x0  }
0x24: {  	s3 =	sadd.s32 $0x88, s3;
	s6 =	simm.s32 @!p1 $0x1082;
	[sflag:s4] =	ssyncset.s32 $0xFFFFF086  }
0x25: {  	[simem:s6], [sflag:s4] =	dma.local [hbm:s3], $0xF7A  }
0x26: {  	[smem:$0x3F9C] =	sst s1;
	(tag) =	ssettag s2;
	_ =	strace s9  }
0x27: {  	s1 =	sld [smem:$0x3FAC]  }
0x28: {  	s2 =	sld [smem:$0x3FAD]  }
0x29: {  	s4 =	sld [smem:$0x3FAF]  }
0x2a: {  	p0 =	seq.s32 s5, $0x0;
	s5 =	sld [smem:$0x3FB0]  }
0x2b: {  	s6 =	sld [smem:$0x3FB1]  }
0x2c: {  	s7 =	sld [smem:$0x3FB2]  }
0x2d: {  	s3 =	simm.s32 $0x108;
	s8 =	sld [smem:$0x3FB3]  }
0x2e: {  	s3 =	simm.s32 @!p0 $0x1082;
	s9 =	sld [smem:$0x3FB4]  }
0x2f: {  	lr =	sadd.s32 s0, s3;
	s0 =	sld [smem:$0x3FAB]  }
0x30: {  	s3 =	sld [smem:$0x3FAE]  }
0x31: {  	[smem:$0x3FB7] =	sst s10  }
0x32: {  	s10 =	sld [smem:$0x3FB5];
	_ =	sdelay $0x3  }
0x33: {  	p0 =	seq.s32 s10, $0x1;
	s10 =	sld [smem:$0x3FB7];
	_ =	sdelay $0x3  }
0x34: {  	[smem:$0x3FB7] =	sst s10  }
0x35: {  	s10 =	sld [smem:$0x3FB6];
	_ =	sdelay $0x3  }
0x36: {  	p1 =	seq.s32 s10, $0x1;
	s10 =	sld [smem:$0x3FB7];
	_ =	sdelay $0x3  }
0x37: {  	[smem:$0x3FB7] =	sst s10  }
0x38: {  	s10 =	sld [smem:$0x3FB8]  }
0x39: {  	_ = 	snop;
	(pc) =	sbr.ind lr, $3  }
0x3a: {  	_ = 	snop  }
0x3b: {  	_ = 	snop  }
0x3c: {  	p2 =	seq.s32 s10, $0x1;
	s10 =	sld [smem:$0x3FB7]  }
0x3d: {  	_ =	shalt  }
0x3e: {  	_ =	shalt  }
0x3f: {  	_ =	shalt  }
0x40: {  	_ =	shalt  }
0x41: {  	_ =	shalt  }
0x42: {  	_ =	shalt  }
0x43: {  	_ =	shalt  }
0x44: {  	_ =	shalt  }
0x45: {  	_ =	shalt  }
0x46: {  	_ =	shalt  }
0x47: {  	_ =	shalt  }
0x48: {  	_ =	shalt  }
0x49: {  	_ =	shalt  }
0x4a: {  	_ =	shalt  }
0x4b: {  	_ =	shalt  }
0x4c: {  	_ =	shalt  }
0x4d: {  	_ =	shalt  }
0x4e: {  	_ =	shalt  }
0x4f: {  	_ =	shalt  }
0x50: {  	_ =	shalt  }
0x51: {  	_ =	shalt  }
0x52: {  	_ =	shalt  }
0x53: {  	_ =	shalt  }
0x54: {  	_ =	shalt  }
0x55: {  	_ =	shalt  }
0x56: {  	_ =	shalt  }
0x57: {  	_ =	shalt  }
0x58: {  	_ =	shalt  }
0x59: {  	_ =	shalt  }
0x5a: {  	_ =	shalt  }
0x5b: {  	_ =	shalt  }
0x5c: {  	_ =	shalt  }
0x5d: {  	_ =	shalt  }
0x5e: {  	_ =	shalt  }
0x5f: {  	_ =	shalt  }
0x60: {  	_ =	shalt  }
0x61: {  	_ =	shalt  }
0x62: {  	_ =	shalt  }
0x63: {  	_ =	shalt  }
0x64: {  	_ =	shalt  }
0x65: {  	_ =	shalt  }
0x66: {  	_ =	shalt  }
0x67: {  	_ =	shalt  }
0x68: {  	_ =	shalt  }
0x69: {  	_ =	shalt  }
0x6a: {  	_ =	shalt  }
0x6b: {  	_ =	shalt  }
0x6c: {  	_ =	shalt  }
0x6d: {  	_ =	shalt  }
0x6e: {  	_ =	shalt  }
0x6f: {  	_ =	shalt  }
0x70: {  	_ =	shalt  }
0x71: {  	_ =	shalt  }
0x72: {  	_ =	shalt  }
0x73: {  	_ =	shalt  }
0x74: {  	_ =	shalt  }
0x75: {  	_ =	shalt  }
0x76: {  	_ =	shalt  }
0x77: {  	_ =	shalt  }
0x78: {  	_ =	shalt  }
0x79: {  	_ =	shalt  }
0x7a: {  	_ =	shalt  }
0x7b: {  	_ =	shalt  }
0x7c: {  	_ =	shalt  }
0x7d: {  	_ =	shalt  }
0x7e: {  	_ =	shalt  }
0x7f: {  	_ =	shalt  }
0x80: {  	_ =	shalt  }
0x81: {  	_ =	shalt  }
0x82: {  	_ =	shalt  }
0x83: {  	_ =	shalt  }
0x84: {  	_ =	shalt  }
0x85: {  	_ =	shalt  }
0x86: {  	_ =	shalt  }
0x87: {  	_ =	shalt  }
.Lfunc_end0:
.L_simem_size_0:
called_computation_lowered:
.L_overlay_start_0:
0x88: {  	s2 =	sld [smem:$0x3FD9]  }
0x89: {  	s3 =	sld [smem:$0x3FFE];
	_ =	sdelay $0x1  }
0x8a: {  	s1 =	srdreg.scid  }
0x8b: {  	s0 =	sand.u32 $0x1, s1  }
0x8c: {  	s16 =	sshll.u32 s0, $0xA;
	s2 =	sadd.s32 s3, s2  }
0x8d: {  	s2 =	sadd.s32 s2, s16  }
0x8e: {  	[smem:$0x3FC3] =	sst s2  }
0x8f: {  	_ = 	snop  }
0x90: {  	(tm) =	ssettm $0x1  }
0x91: {  	s17 =	sld [smem:$0x3FFB];
	_ =	sdelay $0x3  }
0x92: {  	_ =	strace s17  }
0x93: {  	s2 =	sld [smem:$0x3FFC];
	_ =	sdelay $0x3  }
0x94: {  	_ =	strace s2  }
0x95: {  	s2 =	sld [smem:$0x3FFD];
	_ =	sdelay $0x3  }
0x96: {  	_ =	strace s2  }
0x97: {  	_ =	strace $0x8FFFFFFF  }
0x98: {  	s18 =	sld [smem:$0x3FDB];
	_ =	sdelay $0x1  }
0x99: {  	s19 =	simm.s32 $_scs_section_size  }
0x9a: {  	s4 =	simm.s32 $_size__tile_overlayer_lowered;
	s5 =	simm.s32 $_tile_overlayer_lowered  }
0x9b: {  	s22 =	simm.s32 $0x1BFF;
	s21 =	sshll.u32 s5, $0x1;
	s2 =	sadd.s32 s19, s18  }
0x9c: {  	s6 =	simm.s32 $0x0;
	s20 =	sshll.u32 s4, $0x1;
	s4 =	sadd.s32 s21, s2  }
0x9d: {  	[timem:s6], [sflag:s22] =	dma.local [hbm:s4], s20  }
0x9e: {  	_ =	swait.ge [sflag:s22], s20  }
0x9f: {  	s3 =	ssub.s32 $0x0, s20;
	[sflag:s22] =	ssyncset.done $0x0  }
0xa0: {  	[sflag:s22] =	ssyncadd.s32 s3;
	_ =	sdelay $0x1  }
0xa1: {  	s23 =	simm.s32 $0x1B8B  }
0xa2: {  	_ =	swait.ge [sflag:s23], $0x1  }
0xa3: {  	[sflag:s23] =	ssyncset.done $0x0  }
0xa4: {  	s25 =	simm.s32 $0x1B8E;
	s24 =	sld [smem:$0x3FFE];
	[sflag:s23] =	ssyncadd.s32 $0xFFFFFFFF  }
0xa5: {  	s26 =	simm.s32 $execute0_lowered;
	[smem:$0x3FD2] =	sst s25  }
0xa6: {  	s4 =	sshll.u32 s26, $0x1;
	_ =	strace $0x80000046;
	[dreg:$0x1] =	wrdreg $0xFFFFFFFF  }
0xa7: {  	s28 =	simm.s32 $_size_execute0_lowered;
	s2 =	sadd.s32 s2, s4;
	[dreg:$0x0] =	wrdreg $0x0  }
0xa8: {  	s4 =	sshll.u32 s28, $0x1;
	[dreg:$0x2] =	wrdreg s2  }
0xa9: {  	[dreg:$0x3] =	wrdreg s4  }
0xaa: {  	[dreg:$0x4] =	wrdreg $0xC0  }
0xab: {  	_ =	task [dreg:s6], $0x5FFFF  }
0xac: {  	[dreg:$0x1] =	wrdreg $0xFFFFFFFF  }
0xad: {  	[dreg:$0x0] =	wrdreg $0x60  }
0xae: {  	[dreg:$0x2] =	wrdreg s24  }
0xaf: {  	[dreg:$0x3] =	wrdreg $0x9  }
0xb0: {  	_ =	task.clear_ibuf [dreg:s6], $0x4FFFF;
	_ =	strace $0x90000046  }
0xb1: {  	s29 =	simm.s32 $0x9;
	_ =	strace $0x80000048  }
0xb2: {  	_ =	swait.ge [sflag:s29], $0x1  }
0xb3: {  	[sflag:s29] =	ssyncadd.s32 $0xFFFFFFFF  }
0xb4: {  	_ =	strace $0x90000048  }
0xb5: {  	_ =	sfence  }
0xb6: {  	s30 =	sld [smem:$0x0];
	_ =	sdelay $0x2  }
0xb7: {  	s31 =	sshll.u32 s1, $0xD;
	s1 =	sshrl.u32 s1, $0x2  }
0xb8: {  	s3 =	sand.u32 $0x4000, s31;
	s1 =	sadd.s32 s1, s30  }
0xb9: {  	s0 =	sor.u32 s3, s0;
	s1 =	sshll.u32 s1, $0x11  }
0xba: {  	s0 =	sor.u32 s1, s0  }
0xbb: {  	s0 =	sadd.s32 $0x8F2B, s0  }
0xbc: {  	[sflag:s0] =	ssyncadd.remote.s32 $0x1  }
0xbd: {  	_ =	sfence.sel $0xFFFF  }
0xbe: {  	[dreg:$0x0] =	wrdreg $0xFFFFFFFF;
	(pc) =	sbr.abs _section_cstart, $3  }
0xbf: {  	[dreg:$0x1] =	wrdreg $0xFFFFFFFF  }
0xc0: {  	_ =	task.clear_ibuf [dreg:s6], $0x2FFFF;
	_ =	strace $0x9FFFFFFF  }
0xc1: {  	(tm) =	ssettm $0x7FFFFFFF  }
tec
execute0_lowered:
.L_overlay_start_1:
0x0: {  	(tag) =	ssettag $0x1  }
0x1: {  	s0 =	srdreg.scid;
	s2 =	stileid.u32  }
0x2: {  	s4 =	rddreg [dreg:$0x0];
	s17 =	simm.s32 $0x1;
	s18 =	simm.s32 $0x700  }
0x3: {  	s29 =	simm.s32 $0x0;
	s0 =	sand.u32 $0x1, s0;
	s1 =	sshrl.u32 s2, $0x1  }
0x4: {  	s2 =	sshll.u32 s2, $0x9;
	s3 =	sshll.u32 s0, $0x8;
	s1 =	smul.u32 $0x1C00, s1  }
0x5: {  	s0 =	ssub.s32 $0x2, s0;
	s3 =	sor.u32 s3, s2;
	s2 =	simm.s32 $0x0  }
0x6: {  	s31 =	sshrl.u32 s0, $0x1;
	s5 =	sand.u32 $0x300, s3;
	[smem:$0x7FF] =	sst s2  }
0x7: {  	s13 =	sadd.s32 s3, s4;
	s0 =	ssub.s32 s0, s31;
	s1 =	sor.u32 s1, s5  }
0x8: {  	_ =	strace $0x80000047;
	s5 =	sadd.s32 $0x2A10, s13;
	s6 =	sadd.s32 $0x2A20, s13  }
0x9: {  	s7 =	sadd.s32 $0x2A30, s13;
	s8 =	sadd.s32 $0x2A40, s13;
	s9 =	sadd.s32 $0x2A80, s13  }
0xa: {  	s10 =	sadd.s32 $0x2A90, s13;
	s11 =	sadd.s32 $0x2AA0, s13;
	s1 =	sshrl.u32 s1, $0x3  }
0xb: {  	v0 =	vimm.f32 $0.0e+00;
	v1 =	vlaneseq.u32;
	s12 =	sadd.s32 $0x2AB0, s13;
	s14 =	smax.u32 s0, $0x1;
	s1 =	sadd.s32 s1, s4  }
0xc: {  	v3 =	vimm.s32 $0x0;
	v4 =	vimm.f32 $1.000000000e+00;
	v2 =	vadd.s32 $0x1, v1;
	s4 =	sadd.s32 $0x2A00, s13;
	s13 =	sadd.s32 $0x2AC0, s13;
	s3 =	sadd.s32 $0xE00, s1  }
.LBB2_1:
0xd: {  	s0 =	simm.s32 $0x100;
	s1 =	simm.s32 $0x400  }
0xe: {  	[tilespmem:s2], [sflag:$0x1] =	stream.strided.gather [hbm4b:s3+s0], $0x700, s1, s0, $0x38;
	[tilespmem:$0xC00] =	vst v63  }
0xf: {  	_ =	swait.ge [sflag:s17], $0x700  }
0x10: {  	[sflag:s17] =	ssyncset.done $0x0  }
0x11: {  	s0 =	simm.s32 $0x0;
	[sflag:s17] =	ssyncadd.s32 $0xFFFFF900  }
.LBB2_2:
0x12: {  	p0 =	sne.s32 s0, $0x13C0  }
.Ltmp0:
0x13: {  	_ = 	snop;
	(pc) =	sbr.rel @p0 .LBB2_2-.Ltmp0, $3  }
0x14: {  	_ =	sdelay $0x1  }
0x15: {  	s1 =	sshra.s32 s0, $0x2  }
0x16: {  	s0 =	sadd.s32 $0x40, s0;
	[tilespmem:s1+$0x700] =	vst v0  }
0x17: {  	s0 =	simm.s32 $0x0;
	s1 =	simm.s32 $0xFFFFFFC8  }
0x18: {  	s0 =	smin.u32 s0, s1  }
0x19: {  	s21 =	sand.u32 $0x1, s0  }
0x1a: {  	s19 =	sshrl.u32 s0, $0x1;
	s16 =	smul.u32 $0xC, s21  }
0x1b: {  	s0 =	smul.u32 $0x1C, s19;
	_ =	sdelay $0x1  }
0x1c: {  	s0 =	sadd.s32 s16, s0  }
0x1d: {  	p0 =	por $0x0, $0x0;
	s15 =	simm.s32 $0x80;
	s20 =	sshll.u32 s0, $0x1  }
0x1e: {  	s15 =	simm.s32 @!p0 $0x0;
	s1 =	sand.u32 $0xF00, s20  }
0x1f: {  	s0 =	sand.u32 $0x7C, s0;
	s1 =	sor.u32 s15, s1  }
0x20: {  	s0 =	sor.u32 s0, s1  }
0x21: {  	s22 =	simm.s32 $0x1;
	s23 =	simm.s32 $0xFFFFFFC9;
	v5 =	vld [tilespmem:s0+$0x0]  }
0x22: {  	s24 =	smin.u32 s22, s23  }
0x23: {  	s20 =	sand.u32 $0x1, s24  }
0x24: {  	s15 =	smul.u32 $0xC, s20;
	s1 =	sshrl.u32 s24, $0x1  }
0x25: {  	s0 =	smul.u32 $0x1C, s1  }
0x26: {  	v5 =	vmul.f32 $9.000000000e+00, v5  }
0x27: {  	s0 =	sadd.s32 s15, s0  }
0x28: {  	p1 =	por $0x0, $0x0;
	s23 =	simm.s32 $0x80;
	s22 =	sshll.u32 s0, $0x1;
	v5 =	vadd.f32 $5.000000000e-01, v5  }
0x29: {  	s23 =	simm.s32 @!p1 $0x0;
	s22 =	sand.u32 $0xF00, s22  }
0x2a: {  	s0 =	sand.u32 $0x7C, s0;
	s22 =	sor.u32 s23, s22;
	v6 =	vtrunc.f32 v5  }
0x2b: {  	s25 =	simm.s32 $0xFFFFFFCA;
	s24 =	simm.s32 $0x2;
	s0 =	sor.u32 s0, s22;
	v7 =	vcvt.f32.s32 v6  }
0x2c: {  	s26 =	smin.u32 s24, s25;
	v8 =	vld [tilespmem:s0+$0x0]  }
0x2d: {  	s31 =	sshrl.u32 s26, $0x1;
	v9 =	vand.u32 $0x80000001, v7  }
0x2e: {  	s22 =	smul.u32 $0x1C, s31;
	s0 =	sand.u32 $0x1, s26;
	vm0 =	veq.f32 v5, v6;
	vm1 =	veq.s32 v9, $0x1  }
0x2f: {  	p2 =	por p0, p0;
	s30 =	smul.u32 $0xC, s0;
	vm0 =	vmand vm0, vm1  }
0x30: {  	p0 =	por $0x0, $0x0;
	p2 =	por p2, p2;
	v5 =	vsel vm0, $0xFFFFFFFF, v3  }
0x31: {  	p1 =	por p1, p1;
	s25 =	simm.s32 $0x80;
	s22 =	sadd.s32 s30, s22;
	v6 =	vmul.f32 $9.000000000e+00, v8;
	v7 =	vadd.s32 v7, v5  }
0x32: {  	s23 =	simm.s32 $0x3;
	s26 =	simm.s32 $0xFFFFFFCB;
	s28 =	sshll.u32 s22, $0x1;
	vm15 =	vgt.s32 v7, $0x0  }
0x33: {  	s25 =	simm.s32 @!p0 $0x0;
	s26 =	smin.u32 s23, s26;
	s24 =	sand.u32 $0xF00, s28;
	v5 =	vadd.f32 $5.000000000e-01, v6;
	v6 =	vnsel vm15, $0x0, v7  }
0x34: {  	s22 =	sand.u32 $0x7C, s22;
	s24 =	sor.u32 s25, s24;
	s25 =	simm.s32 $0x280;
	v6 =	vmin.u32 v6, $0x9  }
0x35: {  	s28 =	sshll.u32 s21, $0x2;
	s22 =	sor.u32 s22, s24;
	s25 =	simm.s32 @!p2 $0x0;
	v10 =	vtrunc.f32 v5;
	v7 =	vshll.u32 v6, $0x5  }
0x36: {  	s21 =	sshrl.u32 s26, $0x1;
	v9 =	vmov s28;
	s24 =	simm.s32 $0x4;
	v8 =	vld [tilespmem:s22+$0x0];
	s22 =	sand.u32 $0x1, s26;
	v6 =	vcvt.f32.s32 v10;
	v11 =	vadd.s32 s25, v7  }
.LBB2_4:
0x37: {  	p2 =	sne.s32 s24, $0x6F;
	s25 =	sadd.s32 s25, s19  }
0x38: {  	vm0 =	vlt.u32 v9, v2;
	v9 =	vor.u32 s16, v11;
	s16 =	smov.u32 s15;
	s15 =	smov.u32 s30;
	s30 =	smul.u32 $0xC, s22  }
0x39: {  	v12 =	vand.u32 $0x80000001, v6;
	s19 =	smov.u32 s1;
	p3 =	por p1, p1;
	p1 =	por p0, p0  }
0x3a: {  	s26 =	smul.u32 $0x1C, s21;
	vm1 =	veq.f32 v5, v10;
	s1 =	smov.u32 s31;
	vm2 =	veq.s32 v12, $0x1;
	v9 =	vadd.s32 v1, v9;
	s25 =	sadd.s32 $0x140, s25  }
0x3b: {  	s31 =	smov.u32 s21;
	s21 =	smov.u32 s20;
	s20 =	smov.u32 s0;
	vm1 =	vmand vm1, vm2;
	v7 =	vadd.s32 s25, v7  }
0x3c: {  	s0 =	smov.u32 s22;
	p0 =	sgt.u32 s23, $0x37;
	s25 =	sadd.s32 s30, s26;
	v5 =	vmul.f32 $9.000000000e+00, v8;
	v8 =	vsel vm1, $0xFFFFFFFF, v3  }
0x3d: {  	s23 =	smov.u32 s24;
	s26 =	simm.s32 $0x80;
	s22 =	sshll.u32 s25, $0x1;
	v6 =	vadd.s32 v6, v8  }
.Ltmp1:
0x3e: {  	s26 =	simm.s32 @!p0 $0x0;
	s22 =	sand.u32 $0xF00, s22;
	v5 =	vadd.f32 $5.000000000e-01, v5;
	vm1 =	vgt.s32 v6, $0x0;
	(pc) =	sbr.rel @p2 .LBB2_4-.Ltmp1, $4  }
0x3f: {  	s25 =	sand.u32 $0x7C, s25;
	s22 =	sor.u32 s26, s22;
	v6 =	vnsel vm1, $0x0, v6;
	[tilespmem:v9+s18+$0x0] =	vst.idx.add.f32.msk vm0, v4  }
0x40: {  	s26 =	sadd.s32 $0xFFFFFFC8, s24;
	s22 =	sor.u32 s25, s22;
	s25 =	simm.s32 $0x280;
	v10 =	vtrunc.f32 v5;
	v9 =	vmin.u32 v6, $0x9;
	[tilespmem:v7+s18+$0x0] =	vst.idx.add.f32.msk vm0, v4  }
0x41: {  	s28 =	sshll.u32 s21, $0x2;
	s26 =	smin.u32 s24, s26;
	s25 =	simm.s32 @!p3 $0x0;
	v8 =	vld [tilespmem:s22+$0x0];
	v6 =	vcvt.f32.s32 v10;
	v7 =	vshll.u32 v9, $0x5  }
0x42: {  	s24 =	sadd.s32 $0x1, s24;
	s21 =	sshrl.u32 s26, $0x1;
	s22 =	sand.u32 $0x1, s26;
	v9 =	vmov s28;
	v11 =	vadd.s32 s25, v7  }
0x43: {  	s24 =	smul.u32 $0xC, s22  }
0x44: {  	s26 =	smul.u32 $0x1C, s21;
	_ =	sdelay $0x1  }
0x45: {  	s26 =	sadd.s32 s24, s26  }
0x46: {  	p2 =	sgt.u32 s23, $0x37;
	s28 =	simm.s32 $0x80;
	s23 =	sshll.u32 s26, $0x1  }
0x47: {  	s28 =	simm.s32 @!p2 $0x0;
	s23 =	sand.u32 $0xF00, s23  }
0x48: {  	s26 =	sand.u32 $0x7C, s26;
	s23 =	sor.u32 s28, s23  }
0x49: {  	s23 =	sor.u32 s26, s23  }
0x4a: {  	v12 =	vld [tilespmem:s23+$0x0];
	_ =	sdelay $0x2  }
0x4b: {  	v13 =	vand.u32 $0x80000001, v6;
	vm0 =	veq.f32 v5, v10;
	v5 =	vmul.f32 $9.000000000e+00, v8  }
0x4c: {  	vm1 =	veq.s32 v13, $0x1  }
0x4d: {  	vm0 =	vmand vm0, vm1;
	v5 =	vadd.f32 $5.000000000e-01, v5;
	v51 =	vmul.f32 $9.000000000e+00, v12  }
0x4e: {  	v11 =	vor.u32 s16, v11;
	vm11 =	vlt.u32 v9, v2;
	v50 =	vsel vm0, $0xFFFFFFFF, v3  }
0x4f: {  	v6 =	vadd.s32 v6, v50;
	v52 =	vtrunc.f32 v5;
	v10 =	vadd.f32 $5.000000000e-01, v51  }
0x50: {  	s0 =	sshll.u32 s0, $0x2;
	v57 =	vadd.s32 v1, v11;
	vm7 =	vgt.s32 v6, $0x0;
	v53 =	vcvt.f32.s32 v52  }
0x51: {  	v59 =	vmov s0;
	s28 =	sadd.s32 s25, s19;
	s19 =	sshll.u32 s20, $0x2;
	v6 =	vnsel vm7, $0x0, v6;
	v14 =	vtrunc.f32 v10  }
0x52: {  	s16 =	sadd.s32 $0x140, s28;
	v54 =	vmov s19;
	v15 =	vand.u32 $0x80000001, v53;
	v16 =	vcvt.f32.s32 v14  }
0x53: {  	v7 =	vadd.s32 s16, v7;
	vm8 =	veq.f32 v5, v52;
	vm9 =	veq.s32 v15, $0x1  }
0x54: {  	v6 =	vmin.u32 v6, $0x9;
	vm0 =	vmand vm8, vm9;
	v55 =	vand.u32 $0x80000001, v16  }
0x55: {  	p1 =	por p1, p1;
	s16 =	simm.s32 $0x280;
	v56 =	vsel vm0, $0xFFFFFFFF, v3;
	vm10 =	veq.f32 v10, v14;
	vm2 =	veq.s32 v55, $0x1  }
0x56: {  	vm13 =	vlt.u32 v54, v2;
	s16 =	simm.s32 @!p1 $0x0;
	v8 =	vadd.s32 v53, v56;
	vm1 =	vmand vm10, vm2  }
0x57: {  	v6 =	vshll.u32 v6, $0x5;
	s1 =	sadd.s32 s16, s1;
	vm12 =	vgt.s32 v8, $0x0;
	v58 =	vsel vm1, $0xFFFFFFFF, v3  }
0x58: {  	p0 =	por p0, p0;
	v5 =	vadd.s32 s16, v6;
	s1 =	sadd.s32 $0x140, s1;
	v8 =	vnsel vm12, $0x0, v8;
	v10 =	vadd.s32 v16, v58  }
0x59: {  	p0 =	por p0, p0;
	v6 =	vadd.s32 s1, v6;
	s1 =	simm.s32 $0x280;
	v8 =	vmin.u32 v8, $0x9;
	vm14 =	vgt.s32 v10, $0x0  }
0x5a: {  	p6 =	por p2, p2;
	v5 =	vor.u32 s15, v5;
	s1 =	simm.s32 @!p0 $0x0;
	v8 =	vshll.u32 v8, $0x5;
	v10 =	vnsel vm14, $0x0, v10  }
0x5b: {  	s0 =	simm.s32 $0x280;
	v5 =	vadd.s32 v1, v5;
	p0 =	por p6, p6;
	v60 =	vadd.s32 s1, v8;
	v10 =	vmin.u32 v10, $0x9  }
0x5c: {  	vm15 =	vlt.u32 v59, v2;
	s20 =	sshll.u32 s22, $0x2;
	s0 =	simm.s32 @!p0 $0x0;
	s1 =	sadd.s32 s1, s31;
	v12 =	vor.u32 s30, v60;
	v10 =	vshll.u32 v10, $0x5  }
0x5d: {  	v61 =	vmov s20;
	s1 =	sadd.s32 $0x140, s1;
	v12 =	vadd.s32 v1, v12;
	v62 =	vadd.s32 s0, v10  }
0x5e: {  	[tilespmem:v57+s18+$0x0] =	vst.idx.add.f32.msk vm11, v4;
	vm3 =	vlt.u32 v61, v2;
	v8 =	vadd.s32 s1, v8;
	s0 =	sadd.s32 s0, s21;
	v13 =	vor.u32 s24, v62  }
0x5f: {  	[tilespmem:v7+s18+$0x0] =	vst.idx.add.f32.msk vm11, v4;
	s0 =	sadd.s32 $0x140, s0;
	v7 =	vadd.s32 v1, v13  }
0x60: {  	[tilespmem:v5+s18+$0x0] =	vst.idx.add.f32.msk vm13, v4;
	v63 =	vadd.s32 s0, v10  }
0x61: {  	[tilespmem:v6+s18+$0x0] =	vst.idx.add.f32.msk vm13, v4  }
0x62: {  	[tilespmem:v12+s18+$0x0] =	vst.idx.add.f32.msk vm15, v4  }
0x63: {  	[tilespmem:v8+s18+$0x0] =	vst.idx.add.f32.msk vm15, v4  }
0x64: {  	[tilespmem:v7+s18+$0x0] =	vst.idx.add.f32.msk vm3, v4  }
0x65: {  	[tilespmem:v63+s18+$0x0] =	vst.idx.add.f32.msk vm3, v4  }
0x66: {  	[hbm4b:s4+s2] =	stream.linear.scatter [tilespmem:s18], [sflag:$0x1], $0x80, $0x38;
	[tilespmem:$0xC00] =	vst v63  }
0x67: {  	_ =	swait.ge [sflag:s17], $0x80  }
0x68: {  	[sflag:s17] =	ssyncset.done $0x0  }
0x69: {  	s21 =	simm.s32 $0x780;
	[sflag:s17] =	ssyncadd.s32 $0xFFFFFF80  }
0x6a: {  	[hbm4b:s5+s2] =	stream.linear.scatter [tilespmem:s21], [sflag:$0x1], $0x80, $0x38;
	[tilespmem:$0xC00] =	vst v63  }
0x6b: {  	_ =	swait.ge [sflag:s17], $0x80  }
0x6c: {  	[sflag:s17] =	ssyncset.done $0x0  }
0x6d: {  	s22 =	simm.s32 $0x800;
	[sflag:s17] =	ssyncadd.s32 $0xFFFFFF80  }
0x6e: {  	[hbm4b:s6+s2] =	stream.linear.scatter [tilespmem:s22], [sflag:$0x1], $0x80, $0x38;
	[tilespmem:$0xC00] =	vst v63  }
0x6f: {  	_ =	swait.ge [sflag:s17], $0x80  }
0x70: {  	[sflag:s17] =	ssyncset.done $0x0  }
0x71: {  	s23 =	simm.s32 $0x880;
	[sflag:s17] =	ssyncadd.s32 $0xFFFFFF80  }
0x72: {  	[hbm4b:s7+s2] =	stream.linear.scatter [tilespmem:s23], [sflag:$0x1], $0x80, $0x38;
	[tilespmem:$0xC00] =	vst v63  }
0x73: {  	_ =	swait.ge [sflag:s17], $0x80  }
0x74: {  	[sflag:s17] =	ssyncset.done $0x0  }
0x75: {  	s24 =	simm.s32 $0x900;
	[sflag:s17] =	ssyncadd.s32 $0xFFFFFF80  }
0x76: {  	[hbm4b:s8+s2] =	stream.linear.scatter [tilespmem:s24], [sflag:$0x1], $0x80, $0x38;
	[tilespmem:$0xC00] =	vst v63  }
0x77: {  	_ =	swait.ge [sflag:s17], $0x80  }
0x78: {  	[sflag:s17] =	ssyncset.done $0x0  }
0x79: {  	s25 =	simm.s32 $0x980;
	[sflag:s17] =	ssyncadd.s32 $0xFFFFFF80  }
0x7a: {  	[hbm4b:s9+s2] =	stream.linear.scatter [tilespmem:s25], [sflag:$0x1], $0x80, $0x38;
	[tilespmem:$0xC00] =	vst v63  }
0x7b: {  	_ =	swait.ge [sflag:s17], $0x80  }
0x7c: {  	[sflag:s17] =	ssyncset.done $0x0  }
0x7d: {  	s26 =	simm.s32 $0xA00;
	[sflag:s17] =	ssyncadd.s32 $0xFFFFFF80  }
0x7e: {  	[hbm4b:s10+s2] =	stream.linear.scatter [tilespmem:s26], [sflag:$0x1], $0x80, $0x38;
	[tilespmem:$0xC00] =	vst v63  }
0x7f: {  	_ =	swait.ge [sflag:s17], $0x80  }
0x80: {  	[sflag:s17] =	ssyncset.done $0x0  }
0x81: {  	s28 =	simm.s32 $0xA80;
	[sflag:s17] =	ssyncadd.s32 $0xFFFFFF80  }
0x82: {  	[hbm4b:s11+s2] =	stream.linear.scatter [tilespmem:s28], [sflag:$0x1], $0x80, $0x38;
	[tilespmem:$0xC00] =	vst v63  }
0x83: {  	_ =	swait.ge [sflag:s17], $0x80  }
0x84: {  	[sflag:s17] =	ssyncset.done $0x0  }
0x85: {  	s30 =	simm.s32 $0xB00;
	[sflag:s17] =	ssyncadd.s32 $0xFFFFFF80  }
0x86: {  	[hbm4b:s12+s2] =	stream.linear.scatter [tilespmem:s30], [sflag:$0x1], $0x80, $0x38;
	[tilespmem:$0xC00] =	vst v63  }
0x87: {  	s29 =	sadd.s32 $0x1, s29;
	_ =	swait.ge [sflag:s17], $0x80  }
0x88: {  	p0 =	sne.s32 s29, s14;
	[sflag:s17] =	ssyncset.done $0x0  }
.Ltmp2:
0x89: {  	s31 =	simm.s32 $0xB80;
	[sflag:s17] =	ssyncadd.s32 $0xFFFFFF80;
	(pc) =	sbr.rel @p0 .LBB2_1-.Ltmp2, $4  }
0x8a: {  	[hbm4b:s13+s2] =	stream.linear.scatter [tilespmem:s31], [sflag:$0x1], $0x80, $0x38;
	[tilespmem:$0xC00] =	vst v63  }
0x8b: {  	_ =	swait.ge [sflag:s17], $0x80  }
0x8c: {  	[sflag:s17] =	ssyncset.done $0x0  }
0x8d: {  	[sflag:s17] =	ssyncadd.s32 $0xFFFFFF80  }
0x8e: {  	_ =	sfence.sel $0x180000  }
0x8f: {  	[bflag:$0x0] =	sbarrier.arrive $0xFFFF  }
0x90: {  	_ =	strace $0x90000047  }
0x91: {  	s0 =	stileid.u32;
	[bflag:$0x2] =	sbarrier.arrive $0xFFFF  }
0x92: {  	p0 =	sne.s32 s0, $0x0;
	s0 =	rddreg [dreg:$0x1]  }
0x93: {  	s0 =	sadd.s32 @!p0 $0x100000, s0  }
0x94: {  	[sflag:s0] =	ssyncadd.tile.s32 @!p0 $0x1;
	_ =	shalt  }
.Lfunc_end2:
_tile_overlayer_lowered:
.L_overlay_start_2:
0x95: {  	(tag) =	ssettag $0x2  }
0x96: {  	s0 =	rddreg [dreg:$0x0];
	s2 =	stileid.u32  }
0x97: {  	s1 =	rddreg [dreg:$0x1];
	p0 =	sne.s32 s2, $0x0  }
0x98: {  	s3 =	rddreg [dreg:$0x2];
	[bflag:$0x3] =	sbarrier.arrive $0xFFFF;
	s2 =	simm.s32 @!p0 $0x1C01  }
0x99: {  	[timem:s3], [sflag:s2] =	dma.local @!p0 [hbm:s0], s1  }
0x9a: {  	s0 =	simm.s32 @!p0 $0x1  }
0x9b: {  	_ =	swait.ge @!p0 [sflag:s0], s1  }
0x9c: {  	s1 =	ssub.s32 @!p0 $0x0, s1;
	[sflag:s0] =	ssyncset.done @!p0 $0x0  }
0x9d: {  	[sflag:s0] =	ssyncadd.s32 @!p0 s1  }
0x9e: {  	[bflag:$0x3] =	sbarrier.arrive $0xFFFF  }
0x9f: {  	_ =	shalt  }

</sc_bundles>
